<compile_context>
chip_gen: v7x
topology: tpu7x:2x2x1
jax: 0.10.2.dev20260603
libtpu: 0.0.44.dev20260713+nightly
codegen_flags: <defaults>
</compile_context>

<pallas_src>
import functools

import jax
import jax.numpy as jnp
import numpy as np
from jax import lax
from jax.experimental import pallas as pl
from jax.experimental.pallas import tpu as pltpu
from jax.experimental.pallas import tpu_sc as plsc

VOCAB = 100000
D = 1024
B = 4
S = 8192
N = B * S
NC = 2
NS = 16
NW = NC * NS
SPW = S // NW
KCS = 16
NCH = SPW // KCS
NMINI = B * NCH
LANES = 16
GPM = KCS * (D // LANES)
SCALE = 32.0


def _pos_encoding(seq_len, d_model):
    pos = np.arange(seq_len, dtype=np.float32)[:, None]
    i = np.arange(0, d_model, 2, dtype=np.float32)
    div = np.exp(-np.log(np.float32(10000.0)) * i / np.float32(d_model))
    ang = (pos * div[None, :]).astype(np.float32)
    pe = np.zeros((seq_len, d_model), dtype=np.float32)
    pe[:, 0::2] = np.sin(ang)
    pe[:, 1::2] = np.cos(ang)
    return pe


_PE = jax.device_put(_pos_encoding(S, D))

_mesh = plsc.VectorSubcoreMesh(core_axis_name="c", subcore_axis_name="s")


@functools.partial(
    pl.kernel,
    out_type=jax.ShapeDtypeStruct((N, D), jnp.float32),
    mesh=_mesh,
    scratch_types=(
        [pltpu.VMEM((B * SPW,), jnp.int32)]
        + [pltpu.VMEM((KCS, D), jnp.float32)] * B
        + [pltpu.VMEM((KCS, D), jnp.float32)] * 2
        + [pltpu.SemaphoreType.DMA] * B
        + [pltpu.SemaphoreType.DMA] * 2
        + [pltpu.SemaphoreType.DMA] * B
    ),
)
def _emb_kernel(x_hbm, table_hbm, out_hbm, idx_v, *bufs):
    rows = bufs[0:B]
    pes = bufs[B:B + 2]
    sin = bufs[B + 2:2 * B + 2]
    spe = bufs[2 * B + 2:2 * B + 4]
    sout = bufs[2 * B + 4:3 * B + 4]

    wid = lax.axis_index("s") * NC + lax.axis_index("c")
    s_base = wid * SPW

    for bb in range(B):
        pltpu.sync_copy(x_hbm.at[bb, pl.ds(s_base, SPW)],
                        idx_v.at[pl.ds(bb * SPW, SPW)])

    def issue_in(bb, c):
        pltpu.async_copy(
            table_hbm.at[idx_v.at[pl.ds(bb * SPW + c * KCS, KCS)]],
            rows[bb], sin[bb])

    def wait_in(bb):
        pltpu.make_async_copy(
            table_hbm.at[idx_v.at[pl.ds(0, KCS)]], rows[bb], sin[bb]).wait()

    def issue_pe(pc, c):
        pass

    def wait_pe(pc):
        pass

    def issue_out(bb, c):
        pltpu.async_copy(rows[bb],
                         out_hbm.at[pl.ds(bb * S + s_base + c * KCS, KCS)],
                         sout[bb])

    def wait_out(bb):
        pltpu.make_async_copy(rows[bb], out_hbm.at[pl.ds(0, KCS)],
                              sout[bb]).wait()

    issue_pe(0, 0)
    issue_in(0, 0)
    issue_in(1, 0)

    def gbody(c2, carry):
        for pc in range(2):
            c = 2 * c2 + pc
            for bb in range(B):
                if bb == 0:
                    wait_pe(pc)

                    @pl.when(c < NCH - 1)
                    def _pe_prefetch():
                        issue_pe(1 - pc, c + 1)

                wait_in(bb)

                tb = (bb + 2) % B
                if bb < 2:
                    @pl.when(c >= 1)
                    def _drain_lo():
                        wait_out(tb)

                    issue_in(tb, c)
                else:
                    wait_out(tb)

                    @pl.when(c < NCH - 1)
                    def _refill_hi():
                        issue_in(tb, c + 1)

                def row_body(i, _bb=bb, _pc=pc):
                    r = lax.shift_right_logical(i, 6)
                    col = pl.multiple_of(
                        lax.shift_left(
                            lax.bitwise_and(i, D // LANES - 1), 4), LANES)
                    sl = pl.ds(col, LANES)
                    rows[_bb][r, sl] = (rows[_bb][r, sl] * SCALE
                                        + pes[_pc][r, sl])

                plsc.parallel_loop(0, GPM, 1, unroll=8)(row_body)
                issue_out(bb, c)

        return carry

    lax.fori_loop(0, NCH // 2, gbody, 0)
    wait_out(2)
    wait_out(3)


def kernel(x, table):
    out = _emb_kernel(x, table)
    return out.reshape(B, S, D)

# --- scband reference (transcript-rebuilt; emitter-appended) ---
"""Pipeline reference for scband-transformer-embedding-block-76579266888272 (READ-ONLY COPY).

The authoritative reference and input builder live on the scoring server;
editing this copy changes nothing except your own understanding.
"""

import jax, jax.numpy as jnp
import numpy as np

VOCAB = 100000
D_MODEL = 1024
BATCH = 4
SEQ = 8192


def _pos_encoding(seq_len, d_model):
    pos = jnp.arange(seq_len, dtype=jnp.float32)[:, None]
    i = jnp.arange(0, d_model, 2, dtype=jnp.float32)
    div = jnp.exp(-jnp.log(10000.0) * i / d_model)
    ang = pos * div[None, :]
    pe = jnp.zeros((seq_len, d_model), dtype=jnp.float32)
    pe = pe.at[:, 0::2].set(jnp.sin(ang))
    pe = pe.at[:, 1::2].set(jnp.cos(ang))
    return pe


def setup_inputs(seed: int = 0) -> dict:
    key = jax.random.key(seed)
    k1, k2 = jax.random.split(key)
    x = jax.random.randint(k1, (BATCH, SEQ), 0, VOCAB, dtype=jnp.int32)
    table = jax.random.normal(k2, (VOCAB, D_MODEL), dtype=jnp.float32) * 0.02
    return {"x": x, "table": table}


def reference(x, table):
    # TokenEmbeddingLayer: gather rows of the embedding table, scaled by sqrt(d_model)
    d_model = table.shape[1]
    out_token_emb = jnp.take(table, x, axis=0) * jnp.sqrt(jnp.float32(d_model))
    # PositionalEncodingLayer: standard sinusoidal encoding over the sequence length
    out_positional_encode = _pos_encoding(x.shape[1], d_model)[None, :, :]
    # Dropout is identity in eval mode
    return out_token_emb + out_positional_encode

if __name__ == "__main__":
    import jax
    _d = setup_inputs()
    print(jax.jit(kernel)(*tuple(_d.values())))

</pallas_src>

<mosaic_0001>
#map = affine_map<(d0, d1) -> (0, 0)>
module attributes {stable_mosaic.version = 14 : i64} {
  func.func @_emb_kernel(%arg0: i32, %arg1: i32, %arg2: memref<4x8192xi32, #tpu.memory_space<hbm>>, %arg3: memref<100000x1024xf32, #tpu.memory_space<hbm>>, %arg4: memref<32768x1024xf32, #tpu.memory_space<hbm>>, %arg5: memref<1024xi32, #tpu.memory_space<vmem>>, %arg6: memref<16x1024xf32, #tpu.memory_space<vmem>>, %arg7: memref<16x1024xf32, #tpu.memory_space<vmem>>, %arg8: memref<16x1024xf32, #tpu.memory_space<vmem>>, %arg9: memref<16x1024xf32, #tpu.memory_space<vmem>>, %arg10: memref<16x1024xf32, #tpu.memory_space<vmem>>, %arg11: memref<16x1024xf32, #tpu.memory_space<vmem>>, %arg12: memref<!tpu.dma_semaphore, #tpu.memory_space<semaphore_mem>>, %arg13: memref<!tpu.dma_semaphore, #tpu.memory_space<semaphore_mem>>, %arg14: memref<!tpu.dma_semaphore, #tpu.memory_space<semaphore_mem>>, %arg15: memref<!tpu.dma_semaphore, #tpu.memory_space<semaphore_mem>>, %arg16: memref<!tpu.dma_semaphore, #tpu.memory_space<semaphore_mem>>, %arg17: memref<!tpu.dma_semaphore, #tpu.memory_space<semaphore_mem>>, %arg18: memref<!tpu.dma_semaphore, #tpu.memory_space<semaphore_mem>>, %arg19: memref<!tpu.dma_semaphore, #tpu.memory_space<semaphore_mem>>, %arg20: memref<!tpu.dma_semaphore, #tpu.memory_space<semaphore_mem>>, %arg21: memref<!tpu.dma_semaphore, #tpu.memory_space<semaphore_mem>>) attributes {dimension_semantics = [#tpu.dimension_semantics<core_parallel>, #tpu.dimension_semantics<subcore_parallel>], iteration_bounds = array<i64: 2, 16>, scalar_prefetch = 0 : i64, scratch_operands = 17 : i64, tpu.core_type = #tpu.core_type<sc_vector_subcore>, window_params = [{transform_indices = #map}, {transform_indices = #map}, {transform_indices = #map}]} {
    %mul3A = arith.constant 2 : i32
    %mul3A_0 = arith.muli %arg1, %mul3A : i32
    %add3A = arith.addi %mul3A_0, %arg0 : i32
    %mul3A_1 = arith.constant 256 : i32
    %mul3A_2 = arith.muli %add3A, %mul3A_1 : i32
    %run_scoped3A = arith.constant 0 : i32
    "tpu.region"() ({
      %run_scoped3A_31 = tpu.sem_alloc : memref<!tpu.dma_semaphore, #tpu.memory_space<semaphore_mem>>
      %dma_start3A_32 = arith.constant 0 : i32
      %dma_start3A_33 = tpu.memref_slice %arg5[%dma_start3A_32] : memref<1024xi32, #tpu.memory_space<vmem>> -> memref<256xi32, #tpu.memory_space<vmem>>
      %dma_start3A_34 = tpu.memref_slice %arg2[%run_scoped3A, %mul3A_2] : memref<4x8192xi32, #tpu.memory_space<hbm>> -> memref<1x256xi32, #tpu.memory_space<hbm>>
      %dma_start3A_35 = tpu.memref_squeeze %dma_start3A_34 : memref<1x256xi32, #tpu.memory_space<hbm>> -> memref<256xi32, #tpu.memory_space<hbm>>
      %dma_start3A_36 = arith.constant 0 : i32
      %dma_start3A_37 = tpu.memref_slice %arg5[%dma_start3A_36] : memref<1024xi32, #tpu.memory_space<vmem>> -> memref<256xi32, #tpu.memory_space<vmem>>
      %dma_start3A_38 = tpu.memref_slice %arg2[%run_scoped3A, %mul3A_2] : memref<4x8192xi32, #tpu.memory_space<hbm>> -> memref<1x256xi32, #tpu.memory_space<hbm>>
      %dma_start3A_39 = tpu.memref_squeeze %dma_start3A_38 : memref<1x256xi32, #tpu.memory_space<hbm>> -> memref<256xi32, #tpu.memory_space<hbm>>
      tpu.enqueue_dma source(%dma_start3A_39 : memref<256xi32, #tpu.memory_space<hbm>>) target(%dma_start3A_37 : memref<256xi32, #tpu.memory_space<vmem>>) target_semaphore(%run_scoped3A_31 : memref<!tpu.dma_semaphore, #tpu.memory_space<semaphore_mem>>)
      %dma_wait3A_40 = arith.constant 0 : i32
      %dma_wait3A_41 = tpu.memref_slice %arg5[%dma_wait3A_40] : memref<1024xi32, #tpu.memory_space<vmem>> -> memref<256xi32, #tpu.memory_space<vmem>>
      %dma_wait3A_42 = tpu.memref_slice %arg2[%run_scoped3A, %mul3A_2] : memref<4x8192xi32, #tpu.memory_space<hbm>> -> memref<1x256xi32, #tpu.memory_space<hbm>>
      %dma_wait3A_43 = tpu.memref_squeeze %dma_wait3A_42 : memref<1x256xi32, #tpu.memory_space<hbm>> -> memref<256xi32, #tpu.memory_space<hbm>>
      %dma_wait3A_44 = arith.constant 0 : i32
      %dma_wait3A_45 = tpu.memref_slice %arg5[%dma_wait3A_44] : memref<1024xi32, #tpu.memory_space<vmem>> -> memref<256xi32, #tpu.memory_space<vmem>>
      %dma_wait3A_46 = tpu.memref_slice %arg2[%run_scoped3A, %mul3A_2] : memref<4x8192xi32, #tpu.memory_space<hbm>> -> memref<1x256xi32, #tpu.memory_space<hbm>>
      %dma_wait3A_47 = tpu.memref_squeeze %dma_wait3A_46 : memref<1x256xi32, #tpu.memory_space<hbm>> -> memref<256xi32, #tpu.memory_space<hbm>>
      tpu.wait_dma2 semaphore(%run_scoped3A_31 : memref<!tpu.dma_semaphore, #tpu.memory_space<semaphore_mem>>) src(%dma_wait3A_47 : memref<256xi32, #tpu.memory_space<hbm>>) dst(%dma_wait3A_45 : memref<256xi32, #tpu.memory_space<vmem>>)
      tpu.yield
    }) : () -> ()
    %run_scoped3A_3 = arith.constant 1 : i32
    "tpu.region"() ({
      %run_scoped3A_31 = tpu.sem_alloc : memref<!tpu.dma_semaphore, #tpu.memory_space<semaphore_mem>>
      %dma_start3A_32 = arith.constant 256 : i32
      %dma_start3A_33 = tpu.memref_slice %arg5[%dma_start3A_32] : memref<1024xi32, #tpu.memory_space<vmem>> -> memref<256xi32, #tpu.memory_space<vmem>>
      %dma_start3A_34 = tpu.memref_slice %arg2[%run_scoped3A_3, %mul3A_2] : memref<4x8192xi32, #tpu.memory_space<hbm>> -> memref<1x256xi32, #tpu.memory_space<hbm>>
      %dma_start3A_35 = tpu.memref_squeeze %dma_start3A_34 : memref<1x256xi32, #tpu.memory_space<hbm>> -> memref<256xi32, #tpu.memory_space<hbm>>
      %dma_start3A_36 = arith.constant 256 : i32
      %dma_start3A_37 = tpu.memref_slice %arg5[%dma_start3A_36] : memref<1024xi32, #tpu.memory_space<vmem>> -> memref<256xi32, #tpu.memory_space<vmem>>
      %dma_start3A_38 = tpu.memref_slice %arg2[%run_scoped3A_3, %mul3A_2] : memref<4x8192xi32, #tpu.memory_space<hbm>> -> memref<1x256xi32, #tpu.memory_space<hbm>>
      %dma_start3A_39 = tpu.memref_squeeze %dma_start3A_38 : memref<1x256xi32, #tpu.memory_space<hbm>> -> memref<256xi32, #tpu.memory_space<hbm>>
      tpu.enqueue_dma source(%dma_start3A_39 : memref<256xi32, #tpu.memory_space<hbm>>) target(%dma_start3A_37 : memref<256xi32, #tpu.memory_space<vmem>>) target_semaphore(%run_scoped3A_31 : memref<!tpu.dma_semaphore, #tpu.memory_space<semaphore_mem>>)
      %dma_wait3A_40 = arith.constant 256 : i32
      %dma_wait3A_41 = tpu.memref_slice %arg5[%dma_wait3A_40] : memref<1024xi32, #tpu.memory_space<vmem>> -> memref<256xi32, #tpu.memory_space<vmem>>
      %dma_wait3A_42 = tpu.memref_slice %arg2[%run_scoped3A_3, %mul3A_2] : memref<4x8192xi32, #tpu.memory_space<hbm>> -> memref<1x256xi32, #tpu.memory_space<hbm>>
      %dma_wait3A_43 = tpu.memref_squeeze %dma_wait3A_42 : memref<1x256xi32, #tpu.memory_space<hbm>> -> memref<256xi32, #tpu.memory_space<hbm>>
      %dma_wait3A_44 = arith.constant 256 : i32
      %dma_wait3A_45 = tpu.memref_slice %arg5[%dma_wait3A_44] : memref<1024xi32, #tpu.memory_space<vmem>> -> memref<256xi32, #tpu.memory_space<vmem>>
      %dma_wait3A_46 = tpu.memref_slice %arg2[%run_scoped3A_3, %mul3A_2] : memref<4x8192xi32, #tpu.memory_space<hbm>> -> memref<1x256xi32, #tpu.memory_space<hbm>>
      %dma_wait3A_47 = tpu.memref_squeeze %dma_wait3A_46 : memref<1x256xi32, #tpu.memory_space<hbm>> -> memref<256xi32, #tpu.memory_space<hbm>>
      tpu.wait_dma2 semaphore(%run_scoped3A_31 : memref<!tpu.dma_semaphore, #tpu.memory_space<semaphore_mem>>) src(%dma_wait3A_47 : memref<256xi32, #tpu.memory_space<hbm>>) dst(%dma_wait3A_45 : memref<256xi32, #tpu.memory_space<vmem>>)
      tpu.yield
    }) : () -> ()
    %run_scoped3A_4 = arith.constant 2 : i32
    "tpu.region"() ({
      %run_scoped3A_31 = tpu.sem_alloc : memref<!tpu.dma_semaphore, #tpu.memory_space<semaphore_mem>>
      %dma_start3A_32 = arith.constant 512 : i32
      %dma_start3A_33 = tpu.memref_slice %arg5[%dma_start3A_32] : memref<1024xi32, #tpu.memory_space<vmem>> -> memref<256xi32, #tpu.memory_space<vmem>>
      %dma_start3A_34 = tpu.memref_slice %arg2[%run_scoped3A_4, %mul3A_2] : memref<4x8192xi32, #tpu.memory_space<hbm>> -> memref<1x256xi32, #tpu.memory_space<hbm>>
      %dma_start3A_35 = tpu.memref_squeeze %dma_start3A_34 : memref<1x256xi32, #tpu.memory_space<hbm>> -> memref<256xi32, #tpu.memory_space<hbm>>
      %dma_start3A_36 = arith.constant 512 : i32
      %dma_start3A_37 = tpu.memref_slice %arg5[%dma_start3A_36] : memref<1024xi32, #tpu.memory_space<vmem>> -> memref<256xi32, #tpu.memory_space<vmem>>
      %dma_start3A_38 = tpu.memref_slice %arg2[%run_scoped3A_4, %mul3A_2] : memref<4x8192xi32, #tpu.memory_space<hbm>> -> memref<1x256xi32, #tpu.memory_space<hbm>>
      %dma_start3A_39 = tpu.memref_squeeze %dma_start3A_38 : memref<1x256xi32, #tpu.memory_space<hbm>> -> memref<256xi32, #tpu.memory_space<hbm>>
      tpu.enqueue_dma source(%dma_start3A_39 : memref<256xi32, #tpu.memory_space<hbm>>) target(%dma_start3A_37 : memref<256xi32, #tpu.memory_space<vmem>>) target_semaphore(%run_scoped3A_31 : memref<!tpu.dma_semaphore, #tpu.memory_space<semaphore_mem>>)
      %dma_wait3A_40 = arith.constant 512 : i32
      %dma_wait3A_41 = tpu.memref_slice %arg5[%dma_wait3A_40] : memref<1024xi32, #tpu.memory_space<vmem>> -> memref<256xi32, #tpu.memory_space<vmem>>
      %dma_wait3A_42 = tpu.memref_slice %arg2[%run_scoped3A_4, %mul3A_2] : memref<4x8192xi32, #tpu.memory_space<hbm>> -> memref<1x256xi32, #tpu.memory_space<hbm>>
      %dma_wait3A_43 = tpu.memref_squeeze %dma_wait3A_42 : memref<1x256xi32, #tpu.memory_space<hbm>> -> memref<256xi32, #tpu.memory_space<hbm>>
      %dma_wait3A_44 = arith.constant 512 : i32
      %dma_wait3A_45 = tpu.memref_slice %arg5[%dma_wait3A_44] : memref<1024xi32, #tpu.memory_space<vmem>> -> memref<256xi32, #tpu.memory_space<vmem>>
      %dma_wait3A_46 = tpu.memref_slice %arg2[%run_scoped3A_4, %mul3A_2] : memref<4x8192xi32, #tpu.memory_space<hbm>> -> memref<1x256xi32, #tpu.memory_space<hbm>>
      %dma_wait3A_47 = tpu.memref_squeeze %dma_wait3A_46 : memref<1x256xi32, #tpu.memory_space<hbm>> -> memref<256xi32, #tpu.memory_space<hbm>>
      tpu.wait_dma2 semaphore(%run_scoped3A_31 : memref<!tpu.dma_semaphore, #tpu.memory_space<semaphore_mem>>) src(%dma_wait3A_47 : memref<256xi32, #tpu.memory_space<hbm>>) dst(%dma_wait3A_45 : memref<256xi32, #tpu.memory_space<vmem>>)
      tpu.yield
    }) : () -> ()
    %run_scoped3A_5 = arith.constant 3 : i32
    "tpu.region"() ({
      %run_scoped3A_31 = tpu.sem_alloc : memref<!tpu.dma_semaphore, #tpu.memory_space<semaphore_mem>>
      %dma_start3A_32 = arith.constant 768 : i32
      %dma_start3A_33 = tpu.memref_slice %arg5[%dma_start3A_32] : memref<1024xi32, #tpu.memory_space<vmem>> -> memref<256xi32, #tpu.memory_space<vmem>>
      %dma_start3A_34 = tpu.memref_slice %arg2[%run_scoped3A_5, %mul3A_2] : memref<4x8192xi32, #tpu.memory_space<hbm>> -> memref<1x256xi32, #tpu.memory_space<hbm>>
      %dma_start3A_35 = tpu.memref_squeeze %dma_start3A_34 : memref<1x256xi32, #tpu.memory_space<hbm>> -> memref<256xi32, #tpu.memory_space<hbm>>
      %dma_start3A_36 = arith.constant 768 : i32
      %dma_start3A_37 = tpu.memref_slice %arg5[%dma_start3A_36] : memref<1024xi32, #tpu.memory_space<vmem>> -> memref<256xi32, #tpu.memory_space<vmem>>
      %dma_start3A_38 = tpu.memref_slice %arg2[%run_scoped3A_5, %mul3A_2] : memref<4x8192xi32, #tpu.memory_space<hbm>> -> memref<1x256xi32, #tpu.memory_space<hbm>>
      %dma_start3A_39 = tpu.memref_squeeze %dma_start3A_38 : memref<1x256xi32, #tpu.memory_space<hbm>> -> memref<256xi32, #tpu.memory_space<hbm>>
      tpu.enqueue_dma source(%dma_start3A_39 : memref<256xi32, #tpu.memory_space<hbm>>) target(%dma_start3A_37 : memref<256xi32, #tpu.memory_space<vmem>>) target_semaphore(%run_scoped3A_31 : memref<!tpu.dma_semaphore, #tpu.memory_space<semaphore_mem>>)
      %dma_wait3A_40 = arith.constant 768 : i32
      %dma_wait3A_41 = tpu.memref_slice %arg5[%dma_wait3A_40] : memref<1024xi32, #tpu.memory_space<vmem>> -> memref<256xi32, #tpu.memory_space<vmem>>
      %dma_wait3A_42 = tpu.memref_slice %arg2[%run_scoped3A_5, %mul3A_2] : memref<4x8192xi32, #tpu.memory_space<hbm>> -> memref<1x256xi32, #tpu.memory_space<hbm>>
      %dma_wait3A_43 = tpu.memref_squeeze %dma_wait3A_42 : memref<1x256xi32, #tpu.memory_space<hbm>> -> memref<256xi32, #tpu.memory_space<hbm>>
      %dma_wait3A_44 = arith.constant 768 : i32
      %dma_wait3A_45 = tpu.memref_slice %arg5[%dma_wait3A_44] : memref<1024xi32, #tpu.memory_space<vmem>> -> memref<256xi32, #tpu.memory_space<vmem>>
      %dma_wait3A_46 = tpu.memref_slice %arg2[%run_scoped3A_5, %mul3A_2] : memref<4x8192xi32, #tpu.memory_space<hbm>> -> memref<1x256xi32, #tpu.memory_space<hbm>>
      %dma_wait3A_47 = tpu.memref_squeeze %dma_wait3A_46 : memref<1x256xi32, #tpu.memory_space<hbm>> -> memref<256xi32, #tpu.memory_space<hbm>>
      tpu.wait_dma2 semaphore(%run_scoped3A_31 : memref<!tpu.dma_semaphore, #tpu.memory_space<semaphore_mem>>) src(%dma_wait3A_47 : memref<256xi32, #tpu.memory_space<hbm>>) dst(%dma_wait3A_45 : memref<256xi32, #tpu.memory_space<vmem>>)
      tpu.yield
    }) : () -> ()
    %dma_start3A = arith.constant 0 : i32
    %dma_start3A_6 = tpu.memref_slice %arg5[%dma_start3A] : memref<1024xi32, #tpu.memory_space<vmem>> -> memref<16xi32, #tpu.memory_space<vmem>>
    %dma_start3A_7 = arith.constant 0 : i32
    %dma_start3A_8 = arith.constant 0 : i32
    %dma_start3A_9 = tpu.memref_slice %arg3[%dma_start3A_7, %dma_start3A_8] : memref<100000x1024xf32, #tpu.memory_space<hbm>> -> memref<100000x1024xf32, #tpu.memory_space<hbm>>
    tpu.enqueue_indirect_dma source(%dma_start3A_9 : memref<100000x1024xf32, #tpu.memory_space<hbm>>) target(%arg6 : memref<16x1024xf32, #tpu.memory_space<vmem>>) offsets(%dma_start3A_6 : memref<16xi32, #tpu.memory_space<vmem>>) semaphore(%arg12 : memref<!tpu.dma_semaphore, #tpu.memory_space<semaphore_mem>>)
    %dma_start3A_10 = arith.constant 256 : i32
    %dma_start3A_11 = tpu.memref_slice %arg5[%dma_start3A_10] : memref<1024xi32, #tpu.memory_space<vmem>> -> memref<16xi32, #tpu.memory_space<vmem>>
    %dma_start3A_12 = arith.constant 0 : i32
    %dma_start3A_13 = arith.constant 0 : i32
    %dma_start3A_14 = tpu.memref_slice %arg3[%dma_start3A_12, %dma_start3A_13] : memref<100000x1024xf32, #tpu.memory_space<hbm>> -> memref<100000x1024xf32, #tpu.memory_space<hbm>>
    tpu.enqueue_indirect_dma source(%dma_start3A_14 : memref<100000x1024xf32, #tpu.memory_space<hbm>>) target(%arg7 : memref<16x1024xf32, #tpu.memory_space<vmem>>) offsets(%dma_start3A_11 : memref<16xi32, #tpu.memory_space<vmem>>) semaphore(%arg13 : memref<!tpu.dma_semaphore, #tpu.memory_space<semaphore_mem>>)
    %scan3A = arith.constant 0 : i32
    %scan3A_15 = arith.constant 0 : i32
    %scan3A_16 = arith.constant 8 : i32
    %scan3A_17 = arith.addi %scan3A_15, %scan3A_16 : i32
    %scan3A_18 = arith.constant 1 : i32
    scf.for %scan3A_31 = %scan3A_15 to %scan3A_17 step %scan3A_18  : i32 {
      %mul3A_32 = arith.constant 2 : i32
      %mul3A_33 = arith.muli %mul3A_32, %scan3A_31 : i32
      %add3A_34 = arith.constant 0 : i32
      %add3A_35 = arith.addi %mul3A_33, %add3A_34 : i32
      %lt3A = arith.constant 15 : i32
      %lt3A_36 = arith.cmpi slt, %add3A_35, %lt3A : i32
      %convert_element_type3A = arith.extui %lt3A_36 : i1 to i32
      %cond3A = arith.constant 0 : i32
      %cond3A_37 = arith.cmpi ne, %convert_element_type3A, %cond3A : i32
      scf.if %cond3A_37 {
        %add3A_277 = arith.constant 1 : i32
        %add3A_278 = arith.addi %add3A_35, %add3A_277 : i32
      } else {
      }
      %dma_wait3A_38 = arith.constant 0 : i32
      %dma_wait3A_39 = tpu.memref_slice %arg5[%dma_wait3A_38] : memref<1024xi32, #tpu.memory_space<vmem>> -> memref<16xi32, #tpu.memory_space<vmem>>
      %dma_wait3A_40 = arith.constant 0 : i32
      %dma_wait3A_41 = arith.constant 0 : i32
      %dma_wait3A_42 = tpu.memref_slice %arg3[%dma_wait3A_40, %dma_wait3A_41] : memref<100000x1024xf32, #tpu.memory_space<hbm>> -> memref<100000x1024xf32, #tpu.memory_space<hbm>>
      tpu.wait_indirect_dma semaphore(%arg12 : memref<!tpu.dma_semaphore, #tpu.memory_space<semaphore_mem>>) src(%dma_wait3A_42 : memref<100000x1024xf32, #tpu.memory_space<hbm>>) dst(%arg6 : memref<16x1024xf32, #tpu.memory_space<vmem>>)
      %ge3A = arith.constant 1 : i32
      %ge3A_43 = arith.cmpi sge, %add3A_35, %ge3A : i32
      %convert_element_type3A_44 = arith.extui %ge3A_43 : i1 to i32
      %cond3A_45 = arith.constant 0 : i32
      %cond3A_46 = arith.cmpi ne, %convert_element_type3A_44, %cond3A_45 : i32
      scf.if %cond3A_46 {
        %dma_wait3A_277 = arith.constant 0 : i32
        %dma_wait3A_278 = arith.constant 0 : i32
        %dma_wait3A_279 = tpu.memref_slice %arg4[%dma_wait3A_277, %dma_wait3A_278] : memref<32768x1024xf32, #tpu.memory_space<hbm>> -> memref<16x1024xf32, #tpu.memory_space<hbm>>
        %dma_wait3A_280 = arith.constant 0 : i32
        %dma_wait3A_281 = arith.constant 0 : i32
        %dma_wait3A_282 = tpu.memref_slice %arg4[%dma_wait3A_280, %dma_wait3A_281] : memref<32768x1024xf32, #tpu.memory_space<hbm>> -> memref<16x1024xf32, #tpu.memory_space<hbm>>
        tpu.wait_dma2 semaphore(%arg20 : memref<!tpu.dma_semaphore, #tpu.memory_space<semaphore_mem>>) src(%arg8 : memref<16x1024xf32, #tpu.memory_space<vmem>>) dst(%dma_wait3A_282 : memref<16x1024xf32, #tpu.memory_space<hbm>>)
      } else {
      }
      %mul3A_47 = arith.constant 16 : i32
      %mul3A_48 = arith.muli %add3A_35, %mul3A_47 : i32
      %add3A_49 = arith.constant 512 : i32
      %add3A_50 = arith.addi %add3A_49, %mul3A_48 : i32
      %dma_start3A_51 = tpu.memref_slice %arg5[%add3A_50] : memref<1024xi32, #tpu.memory_space<vmem>> -> memref<16xi32, #tpu.memory_space<vmem>>
      %dma_start3A_52 = arith.constant 0 : i32
      %dma_start3A_53 = arith.constant 0 : i32
      %dma_start3A_54 = tpu.memref_slice %arg3[%dma_start3A_52, %dma_start3A_53] : memref<100000x1024xf32, #tpu.memory_space<hbm>> -> memref<100000x1024xf32, #tpu.memory_space<hbm>>
      tpu.enqueue_indirect_dma source(%dma_start3A_54 : memref<100000x1024xf32, #tpu.memory_space<hbm>>) target(%arg8 : memref<16x1024xf32, #tpu.memory_space<vmem>>) offsets(%dma_start3A_51 : memref<16xi32, #tpu.memory_space<vmem>>) semaphore(%arg14 : memref<!tpu.dma_semaphore, #tpu.memory_space<semaphore_mem>>)
      %parallel_loop3A = arith.constant 0 : i32
      %parallel_loop3A_55 = arith.constant 1024 : i32
      %parallel_loop3A_56 = arith.constant 1 : i32
      scf.for %parallel_loop3A_277 = %parallel_loop3A to %parallel_loop3A_55 step %parallel_loop3A_56  : i32 {
        %parallel_loop3A_278 = arith.constant 6 : i32
        %parallel_loop3A_279 = arith.shrui %parallel_loop3A_277, %parallel_loop3A_278 : i32
        %parallel_loop3A_280 = arith.constant 63 : i32
        %parallel_loop3A_281 = arith.andi %parallel_loop3A_277, %parallel_loop3A_280 : i32
        %parallel_loop3A_282 = arith.constant 4 : i32
        %parallel_loop3A_283 = arith.shli %parallel_loop3A_281, %parallel_loop3A_282 : i32
        %parallel_loop3A_284 = tpu.assume_multiple %parallel_loop3A_283, 16 : i32
        %parallel_loop3A_285 = arith.index_cast %parallel_loop3A_279 : i32 to index
        %parallel_loop3A_286 = arith.index_cast %parallel_loop3A_284 : i32 to index
        %parallel_loop3A_287 = tpu.vector_load %arg6[%parallel_loop3A_285, %parallel_loop3A_286] {strides = array<i32>} : memref<16x1024xf32, #tpu.memory_space<vmem>>, vector<1x16xf32>,
        %parallel_loop3A_288 = vector.shape_cast %parallel_loop3A_287 : vector<1x16xf32> to vector<16xf32>
        %parallel_loop3A_289 = arith.constant 3.200000e+01 : f32
        %parallel_loop3A_290 = vector.broadcast %parallel_loop3A_289 : f32 to vector<16xf32>
        %parallel_loop3A_291 = arith.mulf %parallel_loop3A_288, %parallel_loop3A_290 : vector<16xf32>
        %parallel_loop3A_292 = arith.index_cast %parallel_loop3A_279 : i32 to index
        %parallel_loop3A_293 = arith.index_cast %parallel_loop3A_284 : i32 to index
        %parallel_loop3A_294 = tpu.vector_load %arg10[%parallel_loop3A_292, %parallel_loop3A_293] {strides = array<i32>} : memref<16x1024xf32, #tpu.memory_space<vmem>>, vector<1x16xf32>,
        %parallel_loop3A_295 = vector.shape_cast %parallel_loop3A_294 : vector<1x16xf32> to vector<16xf32>
        %parallel_loop3A_296 = arith.addf %parallel_loop3A_291, %parallel_loop3A_295 : vector<16xf32>
        %parallel_loop3A_297 = arith.index_cast %parallel_loop3A_279 : i32 to index
        %parallel_loop3A_298 = arith.index_cast %parallel_loop3A_284 : i32 to index
        %parallel_loop3A_299 = tpu.vector_load %arg6[%parallel_loop3A_297, %parallel_loop3A_298] {strides = array<i32>} : memref<16x1024xf32, #tpu.memory_space<vmem>>, vector<1x16xf32>,
        %parallel_loop3A_300 = vector.shape_cast %parallel_loop3A_299 : vector<1x16xf32> to vector<16xf32>
        %parallel_loop3A_301 = vector.shape_cast %parallel_loop3A_296 : vector<16xf32> to vector<1x16xf32>
        tpu.vector_store %arg6[%parallel_loop3A_297, %parallel_loop3A_298], %parallel_loop3A_301 {strides = array<i32>} : memref<16x1024xf32, #tpu.memory_space<vmem>>, vector<1x16xf32>,
      } {sc.loop_unroll_factor = 8 : i64, sc.parallel_access}
      %add3A_57 = arith.constant 0 : i32
      %add3A_58 = arith.addi %add3A_57, %mul3A_2 : i32
      %mul3A_59 = arith.constant 16 : i32
      %mul3A_60 = arith.muli %add3A_35, %mul3A_59 : i32
      %add3A_61 = arith.addi %add3A_58, %mul3A_60 : i32
      %dma_start3A_62 = arith.constant 0 : i32
      %dma_start3A_63 = tpu.memref_slice %arg4[%add3A_61, %dma_start3A_62] : memref<32768x1024xf32, #tpu.memory_space<hbm>> -> memref<16x1024xf32, #tpu.memory_space<hbm>>
      %dma_start3A_64 = arith.constant 0 : i32
      %dma_start3A_65 = tpu.memref_slice %arg4[%add3A_61, %dma_start3A_64] : memref<32768x1024xf32, #tpu.memory_space<hbm>> -> memref<16x1024xf32, #tpu.memory_space<hbm>>
      tpu.enqueue_dma source(%arg6 : memref<16x1024xf32, #tpu.memory_space<vmem>>) target(%dma_start3A_65 : memref<16x1024xf32, #tpu.memory_space<hbm>>) target_semaphore(%arg18 : memref<!tpu.dma_semaphore, #tpu.memory_space<semaphore_mem>>)
      %dma_wait3A_66 = arith.constant 0 : i32
      %dma_wait3A_67 = tpu.memref_slice %arg5[%dma_wait3A_66] : memref<1024xi32, #tpu.memory_space<vmem>> -> memref<16xi32, #tpu.memory_space<vmem>>
      %dma_wait3A_68 = arith.constant 0 : i32
      %dma_wait3A_69 = arith.constant 0 : i32
      %dma_wait3A_70 = tpu.memref_slice %arg3[%dma_wait3A_68, %dma_wait3A_69] : memref<100000x1024xf32, #tpu.memory_space<hbm>> -> memref<100000x1024xf32, #tpu.memory_space<hbm>>
      tpu.wait_indirect_dma semaphore(%arg13 : memref<!tpu.dma_semaphore, #tpu.memory_space<semaphore_mem>>) src(%dma_wait3A_70 : memref<100000x1024xf32, #tpu.memory_space<hbm>>) dst(%arg7 : memref<16x1024xf32, #tpu.memory_space<vmem>>)
      %ge3A_71 = arith.constant 1 : i32
      %ge3A_72 = arith.cmpi sge, %add3A_35, %ge3A_71 : i32
      %convert_element_type3A_73 = arith.extui %ge3A_72 : i1 to i32
      %cond3A_74 = arith.constant 0 : i32
      %cond3A_75 = arith.cmpi ne, %convert_element_type3A_73, %cond3A_74 : i32
      scf.if %cond3A_75 {
        %dma_wait3A_277 = arith.constant 0 : i32
        %dma_wait3A_278 = arith.constant 0 : i32
        %dma_wait3A_279 = tpu.memref_slice %arg4[%dma_wait3A_277, %dma_wait3A_278] : memref<32768x1024xf32, #tpu.memory_space<hbm>> -> memref<16x1024xf32, #tpu.memory_space<hbm>>
        %dma_wait3A_280 = arith.constant 0 : i32
        %dma_wait3A_281 = arith.constant 0 : i32
        %dma_wait3A_282 = tpu.memref_slice %arg4[%dma_wait3A_280, %dma_wait3A_281] : memref<32768x1024xf32, #tpu.memory_space<hbm>> -> memref<16x1024xf32, #tpu.memory_space<hbm>>
        tpu.wait_dma2 semaphore(%arg21 : memref<!tpu.dma_semaphore, #tpu.memory_space<semaphore_mem>>) src(%arg9 : memref<16x1024xf32, #tpu.memory_space<vmem>>) dst(%dma_wait3A_282 : memref<16x1024xf32, #tpu.memory_space<hbm>>)
      } else {
      }
      %mul3A_76 = arith.constant 16 : i32
      %mul3A_77 = arith.muli %add3A_35, %mul3A_76 : i32
      %add3A_78 = arith.constant 768 : i32
      %add3A_79 = arith.addi %add3A_78, %mul3A_77 : i32
      %dma_start3A_80 = tpu.memref_slice %arg5[%add3A_79] : memref<1024xi32, #tpu.memory_space<vmem>> -> memref<16xi32, #tpu.memory_space<vmem>>
      %dma_start3A_81 = arith.constant 0 : i32
      %dma_start3A_82 = arith.constant 0 : i32
      %dma_start3A_83 = tpu.memref_slice %arg3[%dma_start3A_81, %dma_start3A_82] : memref<100000x1024xf32, #tpu.memory_space<hbm>> -> memref<100000x1024xf32, #tpu.memory_space<hbm>>
      tpu.enqueue_indirect_dma source(%dma_start3A_83 : memref<100000x1024xf32, #tpu.memory_space<hbm>>) target(%arg9 : memref<16x1024xf32, #tpu.memory_space<vmem>>) offsets(%dma_start3A_80 : memref<16xi32, #tpu.memory_space<vmem>>) semaphore(%arg15 : memref<!tpu.dma_semaphore, #tpu.memory_space<semaphore_mem>>)
      %parallel_loop3A_84 = arith.constant 0 : i32
      %parallel_loop3A_85 = arith.constant 1024 : i32
      %parallel_loop3A_86 = arith.constant 1 : i32
      scf.for %parallel_loop3A_277 = %parallel_loop3A_84 to %parallel_loop3A_85 step %parallel_loop3A_86  : i32 {
        %parallel_loop3A_278 = arith.constant 6 : i32
        %parallel_loop3A_279 = arith.shrui %parallel_loop3A_277, %parallel_loop3A_278 : i32
        %parallel_loop3A_280 = arith.constant 63 : i32
        %parallel_loop3A_281 = arith.andi %parallel_loop3A_277, %parallel_loop3A_280 : i32
        %parallel_loop3A_282 = arith.constant 4 : i32
        %parallel_loop3A_283 = arith.shli %parallel_loop3A_281, %parallel_loop3A_282 : i32
        %parallel_loop3A_284 = tpu.assume_multiple %parallel_loop3A_283, 16 : i32
        %parallel_loop3A_285 = arith.index_cast %parallel_loop3A_279 : i32 to index
        %parallel_loop3A_286 = arith.index_cast %parallel_loop3A_284 : i32 to index
        %parallel_loop3A_287 = tpu.vector_load %arg7[%parallel_loop3A_285, %parallel_loop3A_286] {strides = array<i32>} : memref<16x1024xf32, #tpu.memory_space<vmem>>, vector<1x16xf32>,
        %parallel_loop3A_288 = vector.shape_cast %parallel_loop3A_287 : vector<1x16xf32> to vector<16xf32>
        %parallel_loop3A_289 = arith.constant 3.200000e+01 : f32
        %parallel_loop3A_290 = vector.broadcast %parallel_loop3A_289 : f32 to vector<16xf32>
        %parallel_loop3A_291 = arith.mulf %parallel_loop3A_288, %parallel_loop3A_290 : vector<16xf32>
        %parallel_loop3A_292 = arith.index_cast %parallel_loop3A_279 : i32 to index
        %parallel_loop3A_293 = arith.index_cast %parallel_loop3A_284 : i32 to index
        %parallel_loop3A_294 = tpu.vector_load %arg10[%parallel_loop3A_292, %parallel_loop3A_293] {strides = array<i32>} : memref<16x1024xf32, #tpu.memory_space<vmem>>, vector<1x16xf32>,
        %parallel_loop3A_295 = vector.shape_cast %parallel_loop3A_294 : vector<1x16xf32> to vector<16xf32>
        %parallel_loop3A_296 = arith.addf %parallel_loop3A_291, %parallel_loop3A_295 : vector<16xf32>
        %parallel_loop3A_297 = arith.index_cast %parallel_loop3A_279 : i32 to index
        %parallel_loop3A_298 = arith.index_cast %parallel_loop3A_284 : i32 to index
        %parallel_loop3A_299 = tpu.vector_load %arg7[%parallel_loop3A_297, %parallel_loop3A_298] {strides = array<i32>} : memref<16x1024xf32, #tpu.memory_space<vmem>>, vector<1x16xf32>,
        %parallel_loop3A_300 = vector.shape_cast %parallel_loop3A_299 : vector<1x16xf32> to vector<16xf32>
        %parallel_loop3A_301 = vector.shape_cast %parallel_loop3A_296 : vector<16xf32> to vector<1x16xf32>
        tpu.vector_store %arg7[%parallel_loop3A_297, %parallel_loop3A_298], %parallel_loop3A_301 {strides = array<i32>} : memref<16x1024xf32, #tpu.memory_space<vmem>>, vector<1x16xf32>,
      } {sc.loop_unroll_factor = 8 : i64, sc.parallel_access}
      %add3A_87 = arith.constant 8192 : i32
      %add3A_88 = arith.addi %add3A_87, %mul3A_2 : i32
      %mul3A_89 = arith.constant 16 : i32
      %mul3A_90 = arith.muli %add3A_35, %mul3A_89 : i32
      %add3A_91 = arith.addi %add3A_88, %mul3A_90 : i32
      %dma_start3A_92 = arith.constant 0 : i32
      %dma_start3A_93 = tpu.memref_slice %arg4[%add3A_91, %dma_start3A_92] : memref<32768x1024xf32, #tpu.memory_space<hbm>> -> memref<16x1024xf32, #tpu.memory_space<hbm>>
      %dma_start3A_94 = arith.constant 0 : i32
      %dma_start3A_95 = tpu.memref_slice %arg4[%add3A_91, %dma_start3A_94] : memref<32768x1024xf32, #tpu.memory_space<hbm>> -> memref<16x1024xf32, #tpu.memory_space<hbm>>
      tpu.enqueue_dma source(%arg7 : memref<16x1024xf32, #tpu.memory_space<vmem>>) target(%dma_start3A_95 : memref<16x1024xf32, #tpu.memory_space<hbm>>) target_semaphore(%arg19 : memref<!tpu.dma_semaphore, #tpu.memory_space<semaphore_mem>>)
      %dma_wait3A_96 = arith.constant 0 : i32
      %dma_wait3A_97 = tpu.memref_slice %arg5[%dma_wait3A_96] : memref<1024xi32, #tpu.memory_space<vmem>> -> memref<16xi32, #tpu.memory_space<vmem>>
      %dma_wait3A_98 = arith.constant 0 : i32
      %dma_wait3A_99 = arith.constant 0 : i32
      %dma_wait3A_100 = tpu.memref_slice %arg3[%dma_wait3A_98, %dma_wait3A_99] : memref<100000x1024xf32, #tpu.memory_space<hbm>> -> memref<100000x1024xf32, #tpu.memory_space<hbm>>
      tpu.wait_indirect_dma semaphore(%arg14 : memref<!tpu.dma_semaphore, #tpu.memory_space<semaphore_mem>>) src(%dma_wait3A_100 : memref<100000x1024xf32, #tpu.memory_space<hbm>>) dst(%arg8 : memref<16x1024xf32, #tpu.memory_space<vmem>>)
      %dma_wait3A_101 = arith.constant 0 : i32
      %dma_wait3A_102 = arith.constant 0 : i32
      %dma_wait3A_103 = tpu.memref_slice %arg4[%dma_wait3A_101, %dma_wait3A_102] : memref<32768x1024xf32, #tpu.memory_space<hbm>> -> memref<16x1024xf32, #tpu.memory_space<hbm>>
      %dma_wait3A_104 = arith.constant 0 : i32
      %dma_wait3A_105 = arith.constant 0 : i32
      %dma_wait3A_106 = tpu.memref_slice %arg4[%dma_wait3A_104, %dma_wait3A_105] : memref<32768x1024xf32, #tpu.memory_space<hbm>> -> memref<16x1024xf32, #tpu.memory_space<hbm>>
      tpu.wait_dma2 semaphore(%arg18 : memref<!tpu.dma_semaphore, #tpu.memory_space<semaphore_mem>>) src(%arg6 : memref<16x1024xf32, #tpu.memory_space<vmem>>) dst(%dma_wait3A_106 : memref<16x1024xf32, #tpu.memory_space<hbm>>)
      %lt3A_107 = arith.constant 15 : i32
      %lt3A_108 = arith.cmpi slt, %add3A_35, %lt3A_107 : i32
      %convert_element_type3A_109 = arith.extui %lt3A_108 : i1 to i32
      %cond3A_110 = arith.constant 0 : i32
      %cond3A_111 = arith.cmpi ne, %convert_element_type3A_109, %cond3A_110 : i32
      scf.if %cond3A_111 {
        %add3A_277 = arith.constant 1 : i32
        %add3A_278 = arith.addi %add3A_35, %add3A_277 : i32
        %mul3A_279 = arith.constant 16 : i32
        %mul3A_280 = arith.muli %add3A_278, %mul3A_279 : i32
        %add3A_281 = arith.constant 0 : i32
        %add3A_282 = arith.addi %add3A_281, %mul3A_280 : i32
        %dma_start3A_283 = tpu.memref_slice %arg5[%add3A_282] : memref<1024xi32, #tpu.memory_space<vmem>> -> memref<16xi32, #tpu.memory_space<vmem>>
        %dma_start3A_284 = arith.constant 0 : i32
        %dma_start3A_285 = arith.constant 0 : i32
        %dma_start3A_286 = tpu.memref_slice %arg3[%dma_start3A_284, %dma_start3A_285] : memref<100000x1024xf32, #tpu.memory_space<hbm>> -> memref<100000x1024xf32, #tpu.memory_space<hbm>>
        tpu.enqueue_indirect_dma source(%dma_start3A_286 : memref<100000x1024xf32, #tpu.memory_space<hbm>>) target(%arg6 : memref<16x1024xf32, #tpu.memory_space<vmem>>) offsets(%dma_start3A_283 : memref<16xi32, #tpu.memory_space<vmem>>) semaphore(%arg12 : memref<!tpu.dma_semaphore, #tpu.memory_space<semaphore_mem>>)
      } else {
      }
      %parallel_loop3A_112 = arith.constant 0 : i32
      %parallel_loop3A_113 = arith.constant 1024 : i32
      %parallel_loop3A_114 = arith.constant 1 : i32
      scf.for %parallel_loop3A_277 = %parallel_loop3A_112 to %parallel_loop3A_113 step %parallel_loop3A_114  : i32 {
        %parallel_loop3A_278 = arith.constant 6 : i32
        %parallel_loop3A_279 = arith.shrui %parallel_loop3A_277, %parallel_loop3A_278 : i32
        %parallel_loop3A_280 = arith.constant 63 : i32
        %parallel_loop3A_281 = arith.andi %parallel_loop3A_277, %parallel_loop3A_280 : i32
        %parallel_loop3A_282 = arith.constant 4 : i32
        %parallel_loop3A_283 = arith.shli %parallel_loop3A_281, %parallel_loop3A_282 : i32
        %parallel_loop3A_284 = tpu.assume_multiple %parallel_loop3A_283, 16 : i32
        %parallel_loop3A_285 = arith.index_cast %parallel_loop3A_279 : i32 to index
        %parallel_loop3A_286 = arith.index_cast %parallel_loop3A_284 : i32 to index
        %parallel_loop3A_287 = tpu.vector_load %arg8[%parallel_loop3A_285, %parallel_loop3A_286] {strides = array<i32>} : memref<16x1024xf32, #tpu.memory_space<vmem>>, vector<1x16xf32>,
        %parallel_loop3A_288 = vector.shape_cast %parallel_loop3A_287 : vector<1x16xf32> to vector<16xf32>
        %parallel_loop3A_289 = arith.constant 3.200000e+01 : f32
        %parallel_loop3A_290 = vector.broadcast %parallel_loop3A_289 : f32 to vector<16xf32>
        %parallel_loop3A_291 = arith.mulf %parallel_loop3A_288, %parallel_loop3A_290 : vector<16xf32>
        %parallel_loop3A_292 = arith.index_cast %parallel_loop3A_279 : i32 to index
        %parallel_loop3A_293 = arith.index_cast %parallel_loop3A_284 : i32 to index
        %parallel_loop3A_294 = tpu.vector_load %arg10[%parallel_loop3A_292, %parallel_loop3A_293] {strides = array<i32>} : memref<16x1024xf32, #tpu.memory_space<vmem>>, vector<1x16xf32>,
        %parallel_loop3A_295 = vector.shape_cast %parallel_loop3A_294 : vector<1x16xf32> to vector<16xf32>
        %parallel_loop3A_296 = arith.addf %parallel_loop3A_291, %parallel_loop3A_295 : vector<16xf32>
        %parallel_loop3A_297 = arith.index_cast %parallel_loop3A_279 : i32 to index
        %parallel_loop3A_298 = arith.index_cast %parallel_loop3A_284 : i32 to index
        %parallel_loop3A_299 = tpu.vector_load %arg8[%parallel_loop3A_297, %parallel_loop3A_298] {strides = array<i32>} : memref<16x1024xf32, #tpu.memory_space<vmem>>, vector<1x16xf32>,
        %parallel_loop3A_300 = vector.shape_cast %parallel_loop3A_299 : vector<1x16xf32> to vector<16xf32>
        %parallel_loop3A_301 = vector.shape_cast %parallel_loop3A_296 : vector<16xf32> to vector<1x16xf32>
        tpu.vector_store %arg8[%parallel_loop3A_297, %parallel_loop3A_298], %parallel_loop3A_301 {strides = array<i32>} : memref<16x1024xf32, #tpu.memory_space<vmem>>, vector<1x16xf32>,
      } {sc.loop_unroll_factor = 8 : i64, sc.parallel_access}
      %add3A_115 = arith.constant 16384 : i32
      %add3A_116 = arith.addi %add3A_115, %mul3A_2 : i32
      %mul3A_117 = arith.constant 16 : i32
      %mul3A_118 = arith.muli %add3A_35, %mul3A_117 : i32
      %add3A_119 = arith.addi %add3A_116, %mul3A_118 : i32
      %dma_start3A_120 = arith.constant 0 : i32
      %dma_start3A_121 = tpu.memref_slice %arg4[%add3A_119, %dma_start3A_120] : memref<32768x1024xf32, #tpu.memory_space<hbm>> -> memref<16x1024xf32, #tpu.memory_space<hbm>>
      %dma_start3A_122 = arith.constant 0 : i32
      %dma_start3A_123 = tpu.memref_slice %arg4[%add3A_119, %dma_start3A_122] : memref<32768x1024xf32, #tpu.memory_space<hbm>> -> memref<16x1024xf32, #tpu.memory_space<hbm>>
      tpu.enqueue_dma source(%arg8 : memref<16x1024xf32, #tpu.memory_space<vmem>>) target(%dma_start3A_123 : memref<16x1024xf32, #tpu.memory_space<hbm>>) target_semaphore(%arg20 : memref<!tpu.dma_semaphore, #tpu.memory_space<semaphore_mem>>)
      %dma_wait3A_124 = arith.constant 0 : i32
      %dma_wait3A_125 = tpu.memref_slice %arg5[%dma_wait3A_124] : memref<1024xi32, #tpu.memory_space<vmem>> -> memref<16xi32, #tpu.memory_space<vmem>>
      %dma_wait3A_126 = arith.constant 0 : i32
      %dma_wait3A_127 = arith.constant 0 : i32
      %dma_wait3A_128 = tpu.memref_slice %arg3[%dma_wait3A_126, %dma_wait3A_127] : memref<100000x1024xf32, #tpu.memory_space<hbm>> -> memref<100000x1024xf32, #tpu.memory_space<hbm>>
      tpu.wait_indirect_dma semaphore(%arg15 : memref<!tpu.dma_semaphore, #tpu.memory_space<semaphore_mem>>) src(%dma_wait3A_128 : memref<100000x1024xf32, #tpu.memory_space<hbm>>) dst(%arg9 : memref<16x1024xf32, #tpu.memory_space<vmem>>)
      %dma_wait3A_129 = arith.constant 0 : i32
      %dma_wait3A_130 = arith.constant 0 : i32
      %dma_wait3A_131 = tpu.memref_slice %arg4[%dma_wait3A_129, %dma_wait3A_130] : memref<32768x1024xf32, #tpu.memory_space<hbm>> -> memref<16x1024xf32, #tpu.memory_space<hbm>>
      %dma_wait3A_132 = arith.constant 0 : i32
      %dma_wait3A_133 = arith.constant 0 : i32
      %dma_wait3A_134 = tpu.memref_slice %arg4[%dma_wait3A_132, %dma_wait3A_133] : memref<32768x1024xf32, #tpu.memory_space<hbm>> -> memref<16x1024xf32, #tpu.memory_space<hbm>>
      tpu.wait_dma2 semaphore(%arg19 : memref<!tpu.dma_semaphore, #tpu.memory_space<semaphore_mem>>) src(%arg7 : memref<16x1024xf32, #tpu.memory_space<vmem>>) dst(%dma_wait3A_134 : memref<16x1024xf32, #tpu.memory_space<hbm>>)
      %lt3A_135 = arith.constant 15 : i32
      %lt3A_136 = arith.cmpi slt, %add3A_35, %lt3A_135 : i32
      %convert_element_type3A_137 = arith.extui %lt3A_136 : i1 to i32
      %cond3A_138 = arith.constant 0 : i32
      %cond3A_139 = arith.cmpi ne, %convert_element_type3A_137, %cond3A_138 : i32
      scf.if %cond3A_139 {
        %add3A_277 = arith.constant 1 : i32
        %add3A_278 = arith.addi %add3A_35, %add3A_277 : i32
        %mul3A_279 = arith.constant 16 : i32
        %mul3A_280 = arith.muli %add3A_278, %mul3A_279 : i32
        %add3A_281 = arith.constant 256 : i32
        %add3A_282 = arith.addi %add3A_281, %mul3A_280 : i32
        %dma_start3A_283 = tpu.memref_slice %arg5[%add3A_282] : memref<1024xi32, #tpu.memory_space<vmem>> -> memref<16xi32, #tpu.memory_space<vmem>>
        %dma_start3A_284 = arith.constant 0 : i32
        %dma_start3A_285 = arith.constant 0 : i32
        %dma_start3A_286 = tpu.memref_slice %arg3[%dma_start3A_284, %dma_start3A_285] : memref<100000x1024xf32, #tpu.memory_space<hbm>> -> memref<100000x1024xf32, #tpu.memory_space<hbm>>
        tpu.enqueue_indirect_dma source(%dma_start3A_286 : memref<100000x1024xf32, #tpu.memory_space<hbm>>) target(%arg7 : memref<16x1024xf32, #tpu.memory_space<vmem>>) offsets(%dma_start3A_283 : memref<16xi32, #tpu.memory_space<vmem>>) semaphore(%arg13 : memref<!tpu.dma_semaphore, #tpu.memory_space<semaphore_mem>>)
      } else {
      }
      %parallel_loop3A_140 = arith.constant 0 : i32
      %parallel_loop3A_141 = arith.constant 1024 : i32
      %parallel_loop3A_142 = arith.constant 1 : i32
      scf.for %parallel_loop3A_277 = %parallel_loop3A_140 to %parallel_loop3A_141 step %parallel_loop3A_142  : i32 {
        %parallel_loop3A_278 = arith.constant 6 : i32
        %parallel_loop3A_279 = arith.shrui %parallel_loop3A_277, %parallel_loop3A_278 : i32
        %parallel_loop3A_280 = arith.constant 63 : i32
        %parallel_loop3A_281 = arith.andi %parallel_loop3A_277, %parallel_loop3A_280 : i32
        %parallel_loop3A_282 = arith.constant 4 : i32
        %parallel_loop3A_283 = arith.shli %parallel_loop3A_281, %parallel_loop3A_282 : i32
        %parallel_loop3A_284 = tpu.assume_multiple %parallel_loop3A_283, 16 : i32
        %parallel_loop3A_285 = arith.index_cast %parallel_loop3A_279 : i32 to index
        %parallel_loop3A_286 = arith.index_cast %parallel_loop3A_284 : i32 to index
        %parallel_loop3A_287 = tpu.vector_load %arg9[%parallel_loop3A_285, %parallel_loop3A_286] {strides = array<i32>} : memref<16x1024xf32, #tpu.memory_space<vmem>>, vector<1x16xf32>,
        %parallel_loop3A_288 = vector.shape_cast %parallel_loop3A_287 : vector<1x16xf32> to vector<16xf32>
        %parallel_loop3A_289 = arith.constant 3.200000e+01 : f32
        %parallel_loop3A_290 = vector.broadcast %parallel_loop3A_289 : f32 to vector<16xf32>
        %parallel_loop3A_291 = arith.mulf %parallel_loop3A_288, %parallel_loop3A_290 : vector<16xf32>
        %parallel_loop3A_292 = arith.index_cast %parallel_loop3A_279 : i32 to index
        %parallel_loop3A_293 = arith.index_cast %parallel_loop3A_284 : i32 to index
        %parallel_loop3A_294 = tpu.vector_load %arg10[%parallel_loop3A_292, %parallel_loop3A_293] {strides = array<i32>} : memref<16x1024xf32, #tpu.memory_space<vmem>>, vector<1x16xf32>,
        %parallel_loop3A_295 = vector.shape_cast %parallel_loop3A_294 : vector<1x16xf32> to vector<16xf32>
        %parallel_loop3A_296 = arith.addf %parallel_loop3A_291, %parallel_loop3A_295 : vector<16xf32>
        %parallel_loop3A_297 = arith.index_cast %parallel_loop3A_279 : i32 to index
        %parallel_loop3A_298 = arith.index_cast %parallel_loop3A_284 : i32 to index
        %parallel_loop3A_299 = tpu.vector_load %arg9[%parallel_loop3A_297, %parallel_loop3A_298] {strides = array<i32>} : memref<16x1024xf32, #tpu.memory_space<vmem>>, vector<1x16xf32>,
        %parallel_loop3A_300 = vector.shape_cast %parallel_loop3A_299 : vector<1x16xf32> to vector<16xf32>
        %parallel_loop3A_301 = vector.shape_cast %parallel_loop3A_296 : vector<16xf32> to vector<1x16xf32>
        tpu.vector_store %arg9[%parallel_loop3A_297, %parallel_loop3A_298], %parallel_loop3A_301 {strides = array<i32>} : memref<16x1024xf32, #tpu.memory_space<vmem>>, vector<1x16xf32>,
      } {sc.loop_unroll_factor = 8 : i64, sc.parallel_access}
      %add3A_143 = arith.constant 24576 : i32
      %add3A_144 = arith.addi %add3A_143, %mul3A_2 : i32
      %mul3A_145 = arith.constant 16 : i32
      %mul3A_146 = arith.muli %add3A_35, %mul3A_145 : i32
      %add3A_147 = arith.addi %add3A_144, %mul3A_146 : i32
      %dma_start3A_148 = arith.constant 0 : i32
      %dma_start3A_149 = tpu.memref_slice %arg4[%add3A_147, %dma_start3A_148] : memref<32768x1024xf32, #tpu.memory_space<hbm>> -> memref<16x1024xf32, #tpu.memory_space<hbm>>
      %dma_start3A_150 = arith.constant 0 : i32
      %dma_start3A_151 = tpu.memref_slice %arg4[%add3A_147, %dma_start3A_150] : memref<32768x1024xf32, #tpu.memory_space<hbm>> -> memref<16x1024xf32, #tpu.memory_space<hbm>>
      tpu.enqueue_dma source(%arg9 : memref<16x1024xf32, #tpu.memory_space<vmem>>) target(%dma_start3A_151 : memref<16x1024xf32, #tpu.memory_space<hbm>>) target_semaphore(%arg21 : memref<!tpu.dma_semaphore, #tpu.memory_space<semaphore_mem>>)
      %mul3A_152 = arith.constant 2 : i32
      %mul3A_153 = arith.muli %mul3A_152, %scan3A_31 : i32
      %add3A_154 = arith.constant 1 : i32
      %add3A_155 = arith.addi %mul3A_153, %add3A_154 : i32
      %lt3A_156 = arith.constant 15 : i32
      %lt3A_157 = arith.cmpi slt, %add3A_155, %lt3A_156 : i32
      %convert_element_type3A_158 = arith.extui %lt3A_157 : i1 to i32
      %cond3A_159 = arith.constant 0 : i32
      %cond3A_160 = arith.cmpi ne, %convert_element_type3A_158, %cond3A_159 : i32
      scf.if %cond3A_160 {
        %add3A_277 = arith.constant 1 : i32
        %add3A_278 = arith.addi %add3A_155, %add3A_277 : i32
      } else {
      }
      %dma_wait3A_161 = arith.constant 0 : i32
      %dma_wait3A_162 = tpu.memref_slice %arg5[%dma_wait3A_161] : memref<1024xi32, #tpu.memory_space<vmem>> -> memref<16xi32, #tpu.memory_space<vmem>>
      %dma_wait3A_163 = arith.constant 0 : i32
      %dma_wait3A_164 = arith.constant 0 : i32
      %dma_wait3A_165 = tpu.memref_slice %arg3[%dma_wait3A_163, %dma_wait3A_164] : memref<100000x1024xf32, #tpu.memory_space<hbm>> -> memref<100000x1024xf32, #tpu.memory_space<hbm>>
      tpu.wait_indirect_dma semaphore(%arg12 : memref<!tpu.dma_semaphore, #tpu.memory_space<semaphore_mem>>) src(%dma_wait3A_165 : memref<100000x1024xf32, #tpu.memory_space<hbm>>) dst(%arg6 : memref<16x1024xf32, #tpu.memory_space<vmem>>)
      %ge3A_166 = arith.constant 1 : i32
      %ge3A_167 = arith.cmpi sge, %add3A_155, %ge3A_166 : i32
      %convert_element_type3A_168 = arith.extui %ge3A_167 : i1 to i32
      %cond3A_169 = arith.constant 0 : i32
      %cond3A_170 = arith.cmpi ne, %convert_element_type3A_168, %cond3A_169 : i32
      scf.if %cond3A_170 {
        %dma_wait3A_277 = arith.constant 0 : i32
        %dma_wait3A_278 = arith.constant 0 : i32
        %dma_wait3A_279 = tpu.memref_slice %arg4[%dma_wait3A_277, %dma_wait3A_278] : memref<32768x1024xf32, #tpu.memory_space<hbm>> -> memref<16x1024xf32, #tpu.memory_space<hbm>>
        %dma_wait3A_280 = arith.constant 0 : i32
        %dma_wait3A_281 = arith.constant 0 : i32
        %dma_wait3A_282 = tpu.memref_slice %arg4[%dma_wait3A_280, %dma_wait3A_281] : memref<32768x1024xf32, #tpu.memory_space<hbm>> -> memref<16x1024xf32, #tpu.memory_space<hbm>>
        tpu.wait_dma2 semaphore(%arg20 : memref<!tpu.dma_semaphore, #tpu.memory_space<semaphore_mem>>) src(%arg8 : memref<16x1024xf32, #tpu.memory_space<vmem>>) dst(%dma_wait3A_282 : memref<16x1024xf32, #tpu.memory_space<hbm>>)
      } else {
      }
      %mul3A_171 = arith.constant 16 : i32
      %mul3A_172 = arith.muli %add3A_155, %mul3A_171 : i32
      %add3A_173 = arith.constant 512 : i32
      %add3A_174 = arith.addi %add3A_173, %mul3A_172 : i32
      %dma_start3A_175 = tpu.memref_slice %arg5[%add3A_174] : memref<1024xi32, #tpu.memory_space<vmem>> -> memref<16xi32, #tpu.memory_space<vmem>>
      %dma_start3A_176 = arith.constant 0 : i32
      %dma_start3A_177 = arith.constant 0 : i32
      %dma_start3A_178 = tpu.memref_slice %arg3[%dma_start3A_176, %dma_start3A_177] : memref<100000x1024xf32, #tpu.memory_space<hbm>> -> memref<100000x1024xf32, #tpu.memory_space<hbm>>
      tpu.enqueue_indirect_dma source(%dma_start3A_178 : memref<100000x1024xf32, #tpu.memory_space<hbm>>) target(%arg8 : memref<16x1024xf32, #tpu.memory_space<vmem>>) offsets(%dma_start3A_175 : memref<16xi32, #tpu.memory_space<vmem>>) semaphore(%arg14 : memref<!tpu.dma_semaphore, #tpu.memory_space<semaphore_mem>>)
      %parallel_loop3A_179 = arith.constant 0 : i32
      %parallel_loop3A_180 = arith.constant 1024 : i32
      %parallel_loop3A_181 = arith.constant 1 : i32
      scf.for %parallel_loop3A_277 = %parallel_loop3A_179 to %parallel_loop3A_180 step %parallel_loop3A_181  : i32 {
        %parallel_loop3A_278 = arith.constant 6 : i32
        %parallel_loop3A_279 = arith.shrui %parallel_loop3A_277, %parallel_loop3A_278 : i32
        %parallel_loop3A_280 = arith.constant 63 : i32
        %parallel_loop3A_281 = arith.andi %parallel_loop3A_277, %parallel_loop3A_280 : i32
        %parallel_loop3A_282 = arith.constant 4 : i32
        %parallel_loop3A_283 = arith.shli %parallel_loop3A_281, %parallel_loop3A_282 : i32
        %parallel_loop3A_284 = tpu.assume_multiple %parallel_loop3A_283, 16 : i32
        %parallel_loop3A_285 = arith.index_cast %parallel_loop3A_279 : i32 to index
        %parallel_loop3A_286 = arith.index_cast %parallel_loop3A_284 : i32 to index
        %parallel_loop3A_287 = tpu.vector_load %arg6[%parallel_loop3A_285, %parallel_loop3A_286] {strides = array<i32>} : memref<16x1024xf32, #tpu.memory_space<vmem>>, vector<1x16xf32>,
        %parallel_loop3A_288 = vector.shape_cast %parallel_loop3A_287 : vector<1x16xf32> to vector<16xf32>
        %parallel_loop3A_289 = arith.constant 3.200000e+01 : f32
        %parallel_loop3A_290 = vector.broadcast %parallel_loop3A_289 : f32 to vector<16xf32>
        %parallel_loop3A_291 = arith.mulf %parallel_loop3A_288, %parallel_loop3A_290 : vector<16xf32>
        %parallel_loop3A_292 = arith.index_cast %parallel_loop3A_279 : i32 to index
        %parallel_loop3A_293 = arith.index_cast %parallel_loop3A_284 : i32 to index
        %parallel_loop3A_294 = tpu.vector_load %arg11[%parallel_loop3A_292, %parallel_loop3A_293] {strides = array<i32>} : memref<16x1024xf32, #tpu.memory_space<vmem>>, vector<1x16xf32>,
        %parallel_loop3A_295 = vector.shape_cast %parallel_loop3A_294 : vector<1x16xf32> to vector<16xf32>
        %parallel_loop3A_296 = arith.addf %parallel_loop3A_291, %parallel_loop3A_295 : vector<16xf32>
        %parallel_loop3A_297 = arith.index_cast %parallel_loop3A_279 : i32 to index
        %parallel_loop3A_298 = arith.index_cast %parallel_loop3A_284 : i32 to index
        %parallel_loop3A_299 = tpu.vector_load %arg6[%parallel_loop3A_297, %parallel_loop3A_298] {strides = array<i32>} : memref<16x1024xf32, #tpu.memory_space<vmem>>, vector<1x16xf32>,
        %parallel_loop3A_300 = vector.shape_cast %parallel_loop3A_299 : vector<1x16xf32> to vector<16xf32>
        %parallel_loop3A_301 = vector.shape_cast %parallel_loop3A_296 : vector<16xf32> to vector<1x16xf32>
        tpu.vector_store %arg6[%parallel_loop3A_297, %parallel_loop3A_298], %parallel_loop3A_301 {strides = array<i32>} : memref<16x1024xf32, #tpu.memory_space<vmem>>, vector<1x16xf32>,
      } {sc.loop_unroll_factor = 8 : i64, sc.parallel_access}
      %add3A_182 = arith.constant 0 : i32
      %add3A_183 = arith.addi %add3A_182, %mul3A_2 : i32
      %mul3A_184 = arith.constant 16 : i32
      %mul3A_185 = arith.muli %add3A_155, %mul3A_184 : i32
      %add3A_186 = arith.addi %add3A_183, %mul3A_185 : i32
      %dma_start3A_187 = arith.constant 0 : i32
      %dma_start3A_188 = tpu.memref_slice %arg4[%add3A_186, %dma_start3A_187] : memref<32768x1024xf32, #tpu.memory_space<hbm>> -> memref<16x1024xf32, #tpu.memory_space<hbm>>
      %dma_start3A_189 = arith.constant 0 : i32
      %dma_start3A_190 = tpu.memref_slice %arg4[%add3A_186, %dma_start3A_189] : memref<32768x1024xf32, #tpu.memory_space<hbm>> -> memref<16x1024xf32, #tpu.memory_space<hbm>>
      tpu.enqueue_dma source(%arg6 : memref<16x1024xf32, #tpu.memory_space<vmem>>) target(%dma_start3A_190 : memref<16x1024xf32, #tpu.memory_space<hbm>>) target_semaphore(%arg18 : memref<!tpu.dma_semaphore, #tpu.memory_space<semaphore_mem>>)
      %dma_wait3A_191 = arith.constant 0 : i32
      %dma_wait3A_192 = tpu.memref_slice %arg5[%dma_wait3A_191] : memref<1024xi32, #tpu.memory_space<vmem>> -> memref<16xi32, #tpu.memory_space<vmem>>
      %dma_wait3A_193 = arith.constant 0 : i32
      %dma_wait3A_194 = arith.constant 0 : i32
      %dma_wait3A_195 = tpu.memref_slice %arg3[%dma_wait3A_193, %dma_wait3A_194] : memref<100000x1024xf32, #tpu.memory_space<hbm>> -> memref<100000x1024xf32, #tpu.memory_space<hbm>>
      tpu.wait_indirect_dma semaphore(%arg13 : memref<!tpu.dma_semaphore, #tpu.memory_space<semaphore_mem>>) src(%dma_wait3A_195 : memref<100000x1024xf32, #tpu.memory_space<hbm>>) dst(%arg7 : memref<16x1024xf32, #tpu.memory_space<vmem>>)
      %ge3A_196 = arith.constant 1 : i32
      %ge3A_197 = arith.cmpi sge, %add3A_155, %ge3A_196 : i32
      %convert_element_type3A_198 = arith.extui %ge3A_197 : i1 to i32
      %cond3A_199 = arith.constant 0 : i32
      %cond3A_200 = arith.cmpi ne, %convert_element_type3A_198, %cond3A_199 : i32
      scf.if %cond3A_200 {
        %dma_wait3A_277 = arith.constant 0 : i32
        %dma_wait3A_278 = arith.constant 0 : i32
        %dma_wait3A_279 = tpu.memref_slice %arg4[%dma_wait3A_277, %dma_wait3A_278] : memref<32768x1024xf32, #tpu.memory_space<hbm>> -> memref<16x1024xf32, #tpu.memory_space<hbm>>
        %dma_wait3A_280 = arith.constant 0 : i32
        %dma_wait3A_281 = arith.constant 0 : i32
        %dma_wait3A_282 = tpu.memref_slice %arg4[%dma_wait3A_280, %dma_wait3A_281] : memref<32768x1024xf32, #tpu.memory_space<hbm>> -> memref<16x1024xf32, #tpu.memory_space<hbm>>
        tpu.wait_dma2 semaphore(%arg21 : memref<!tpu.dma_semaphore, #tpu.memory_space<semaphore_mem>>) src(%arg9 : memref<16x1024xf32, #tpu.memory_space<vmem>>) dst(%dma_wait3A_282 : memref<16x1024xf32, #tpu.memory_space<hbm>>)
      } else {
      }
      %mul3A_201 = arith.constant 16 : i32
      %mul3A_202 = arith.muli %add3A_155, %mul3A_201 : i32
      %add3A_203 = arith.constant 768 : i32
      %add3A_204 = arith.addi %add3A_203, %mul3A_202 : i32
      %dma_start3A_205 = tpu.memref_slice %arg5[%add3A_204] : memref<1024xi32, #tpu.memory_space<vmem>> -> memref<16xi32, #tpu.memory_space<vmem>>
      %dma_start3A_206 = arith.constant 0 : i32
      %dma_start3A_207 = arith.constant 0 : i32
      %dma_start3A_208 = tpu.memref_slice %arg3[%dma_start3A_206, %dma_start3A_207] : memref<100000x1024xf32, #tpu.memory_space<hbm>> -> memref<100000x1024xf32, #tpu.memory_space<hbm>>
      tpu.enqueue_indirect_dma source(%dma_start3A_208 : memref<100000x1024xf32, #tpu.memory_space<hbm>>) target(%arg9 : memref<16x1024xf32, #tpu.memory_space<vmem>>) offsets(%dma_start3A_205 : memref<16xi32, #tpu.memory_space<vmem>>) semaphore(%arg15 : memref<!tpu.dma_semaphore, #tpu.memory_space<semaphore_mem>>)
      %parallel_loop3A_209 = arith.constant 0 : i32
      %parallel_loop3A_210 = arith.constant 1024 : i32
      %parallel_loop3A_211 = arith.constant 1 : i32
      scf.for %parallel_loop3A_277 = %parallel_loop3A_209 to %parallel_loop3A_210 step %parallel_loop3A_211  : i32 {
        %parallel_loop3A_278 = arith.constant 6 : i32
        %parallel_loop3A_279 = arith.shrui %parallel_loop3A_277, %parallel_loop3A_278 : i32
        %parallel_loop3A_280 = arith.constant 63 : i32
        %parallel_loop3A_281 = arith.andi %parallel_loop3A_277, %parallel_loop3A_280 : i32
        %parallel_loop3A_282 = arith.constant 4 : i32
        %parallel_loop3A_283 = arith.shli %parallel_loop3A_281, %parallel_loop3A_282 : i32
        %parallel_loop3A_284 = tpu.assume_multiple %parallel_loop3A_283, 16 : i32
        %parallel_loop3A_285 = arith.index_cast %parallel_loop3A_279 : i32 to index
        %parallel_loop3A_286 = arith.index_cast %parallel_loop3A_284 : i32 to index
        %parallel_loop3A_287 = tpu.vector_load %arg7[%parallel_loop3A_285, %parallel_loop3A_286] {strides = array<i32>} : memref<16x1024xf32, #tpu.memory_space<vmem>>, vector<1x16xf32>,
        %parallel_loop3A_288 = vector.shape_cast %parallel_loop3A_287 : vector<1x16xf32> to vector<16xf32>
        %parallel_loop3A_289 = arith.constant 3.200000e+01 : f32
        %parallel_loop3A_290 = vector.broadcast %parallel_loop3A_289 : f32 to vector<16xf32>
        %parallel_loop3A_291 = arith.mulf %parallel_loop3A_288, %parallel_loop3A_290 : vector<16xf32>
        %parallel_loop3A_292 = arith.index_cast %parallel_loop3A_279 : i32 to index
        %parallel_loop3A_293 = arith.index_cast %parallel_loop3A_284 : i32 to index
        %parallel_loop3A_294 = tpu.vector_load %arg11[%parallel_loop3A_292, %parallel_loop3A_293] {strides = array<i32>} : memref<16x1024xf32, #tpu.memory_space<vmem>>, vector<1x16xf32>,
        %parallel_loop3A_295 = vector.shape_cast %parallel_loop3A_294 : vector<1x16xf32> to vector<16xf32>
        %parallel_loop3A_296 = arith.addf %parallel_loop3A_291, %parallel_loop3A_295 : vector<16xf32>
        %parallel_loop3A_297 = arith.index_cast %parallel_loop3A_279 : i32 to index
        %parallel_loop3A_298 = arith.index_cast %parallel_loop3A_284 : i32 to index
        %parallel_loop3A_299 = tpu.vector_load %arg7[%parallel_loop3A_297, %parallel_loop3A_298] {strides = array<i32>} : memref<16x1024xf32, #tpu.memory_space<vmem>>, vector<1x16xf32>,
        %parallel_loop3A_300 = vector.shape_cast %parallel_loop3A_299 : vector<1x16xf32> to vector<16xf32>
        %parallel_loop3A_301 = vector.shape_cast %parallel_loop3A_296 : vector<16xf32> to vector<1x16xf32>
        tpu.vector_store %arg7[%parallel_loop3A_297, %parallel_loop3A_298], %parallel_loop3A_301 {strides = array<i32>} : memref<16x1024xf32, #tpu.memory_space<vmem>>, vector<1x16xf32>,
      } {sc.loop_unroll_factor = 8 : i64, sc.parallel_access}
      %add3A_212 = arith.constant 8192 : i32
      %add3A_213 = arith.addi %add3A_212, %mul3A_2 : i32
      %mul3A_214 = arith.constant 16 : i32
      %mul3A_215 = arith.muli %add3A_155, %mul3A_214 : i32
      %add3A_216 = arith.addi %add3A_213, %mul3A_215 : i32
      %dma_start3A_217 = arith.constant 0 : i32
      %dma_start3A_218 = tpu.memref_slice %arg4[%add3A_216, %dma_start3A_217] : memref<32768x1024xf32, #tpu.memory_space<hbm>> -> memref<16x1024xf32, #tpu.memory_space<hbm>>
      %dma_start3A_219 = arith.constant 0 : i32
      %dma_start3A_220 = tpu.memref_slice %arg4[%add3A_216, %dma_start3A_219] : memref<32768x1024xf32, #tpu.memory_space<hbm>> -> memref<16x1024xf32, #tpu.memory_space<hbm>>
      tpu.enqueue_dma source(%arg7 : memref<16x1024xf32, #tpu.memory_space<vmem>>) target(%dma_start3A_220 : memref<16x1024xf32, #tpu.memory_space<hbm>>) target_semaphore(%arg19 : memref<!tpu.dma_semaphore, #tpu.memory_space<semaphore_mem>>)
      %dma_wait3A_221 = arith.constant 0 : i32
      %dma_wait3A_222 = tpu.memref_slice %arg5[%dma_wait3A_221] : memref<1024xi32, #tpu.memory_space<vmem>> -> memref<16xi32, #tpu.memory_space<vmem>>
      %dma_wait3A_223 = arith.constant 0 : i32
      %dma_wait3A_224 = arith.constant 0 : i32
      %dma_wait3A_225 = tpu.memref_slice %arg3[%dma_wait3A_223, %dma_wait3A_224] : memref<100000x1024xf32, #tpu.memory_space<hbm>> -> memref<100000x1024xf32, #tpu.memory_space<hbm>>
      tpu.wait_indirect_dma semaphore(%arg14 : memref<!tpu.dma_semaphore, #tpu.memory_space<semaphore_mem>>) src(%dma_wait3A_225 : memref<100000x1024xf32, #tpu.memory_space<hbm>>) dst(%arg8 : memref<16x1024xf32, #tpu.memory_space<vmem>>)
      %dma_wait3A_226 = arith.constant 0 : i32
      %dma_wait3A_227 = arith.constant 0 : i32
      %dma_wait3A_228 = tpu.memref_slice %arg4[%dma_wait3A_226, %dma_wait3A_227] : memref<32768x1024xf32, #tpu.memory_space<hbm>> -> memref<16x1024xf32, #tpu.memory_space<hbm>>
      %dma_wait3A_229 = arith.constant 0 : i32
      %dma_wait3A_230 = arith.constant 0 : i32
      %dma_wait3A_231 = tpu.memref_slice %arg4[%dma_wait3A_229, %dma_wait3A_230] : memref<32768x1024xf32, #tpu.memory_space<hbm>> -> memref<16x1024xf32, #tpu.memory_space<hbm>>
      tpu.wait_dma2 semaphore(%arg18 : memref<!tpu.dma_semaphore, #tpu.memory_space<semaphore_mem>>) src(%arg6 : memref<16x1024xf32, #tpu.memory_space<vmem>>) dst(%dma_wait3A_231 : memref<16x1024xf32, #tpu.memory_space<hbm>>)
      %lt3A_232 = arith.constant 15 : i32
      %lt3A_233 = arith.cmpi slt, %add3A_155, %lt3A_232 : i32
      %convert_element_type3A_234 = arith.extui %lt3A_233 : i1 to i32
      %cond3A_235 = arith.constant 0 : i32
      %cond3A_236 = arith.cmpi ne, %convert_element_type3A_234, %cond3A_235 : i32
      scf.if %cond3A_236 {
        %add3A_277 = arith.constant 1 : i32
        %add3A_278 = arith.addi %add3A_155, %add3A_277 : i32
        %mul3A_279 = arith.constant 16 : i32
        %mul3A_280 = arith.muli %add3A_278, %mul3A_279 : i32
        %add3A_281 = arith.constant 0 : i32
        %add3A_282 = arith.addi %add3A_281, %mul3A_280 : i32
        %dma_start3A_283 = tpu.memref_slice %arg5[%add3A_282] : memref<1024xi32, #tpu.memory_space<vmem>> -> memref<16xi32, #tpu.memory_space<vmem>>
        %dma_start3A_284 = arith.constant 0 : i32
        %dma_start3A_285 = arith.constant 0 : i32
        %dma_start3A_286 = tpu.memref_slice %arg3[%dma_start3A_284, %dma_start3A_285] : memref<100000x1024xf32, #tpu.memory_space<hbm>> -> memref<100000x1024xf32, #tpu.memory_space<hbm>>
        tpu.enqueue_indirect_dma source(%dma_start3A_286 : memref<100000x1024xf32, #tpu.memory_space<hbm>>) target(%arg6 : memref<16x1024xf32, #tpu.memory_space<vmem>>) offsets(%dma_start3A_283 : memref<16xi32, #tpu.memory_space<vmem>>) semaphore(%arg12 : memref<!tpu.dma_semaphore, #tpu.memory_space<semaphore_mem>>)
      } else {
      }
      %parallel_loop3A_237 = arith.constant 0 : i32
      %parallel_loop3A_238 = arith.constant 1024 : i32
      %parallel_loop3A_239 = arith.constant 1 : i32
      scf.for %parallel_loop3A_277 = %parallel_loop3A_237 to %parallel_loop3A_238 step %parallel_loop3A_239  : i32 {
        %parallel_loop3A_278 = arith.constant 6 : i32
        %parallel_loop3A_279 = arith.shrui %parallel_loop3A_277, %parallel_loop3A_278 : i32
        %parallel_loop3A_280 = arith.constant 63 : i32
        %parallel_loop3A_281 = arith.andi %parallel_loop3A_277, %parallel_loop3A_280 : i32
        %parallel_loop3A_282 = arith.constant 4 : i32
        %parallel_loop3A_283 = arith.shli %parallel_loop3A_281, %parallel_loop3A_282 : i32
        %parallel_loop3A_284 = tpu.assume_multiple %parallel_loop3A_283, 16 : i32
        %parallel_loop3A_285 = arith.index_cast %parallel_loop3A_279 : i32 to index
        %parallel_loop3A_286 = arith.index_cast %parallel_loop3A_284 : i32 to index
        %parallel_loop3A_287 = tpu.vector_load %arg8[%parallel_loop3A_285, %parallel_loop3A_286] {strides = array<i32>} : memref<16x1024xf32, #tpu.memory_space<vmem>>, vector<1x16xf32>,
        %parallel_loop3A_288 = vector.shape_cast %parallel_loop3A_287 : vector<1x16xf32> to vector<16xf32>
        %parallel_loop3A_289 = arith.constant 3.200000e+01 : f32
        %parallel_loop3A_290 = vector.broadcast %parallel_loop3A_289 : f32 to vector<16xf32>
        %parallel_loop3A_291 = arith.mulf %parallel_loop3A_288, %parallel_loop3A_290 : vector<16xf32>
        %parallel_loop3A_292 = arith.index_cast %parallel_loop3A_279 : i32 to index
        %parallel_loop3A_293 = arith.index_cast %parallel_loop3A_284 : i32 to index
        %parallel_loop3A_294 = tpu.vector_load %arg11[%parallel_loop3A_292, %parallel_loop3A_293] {strides = array<i32>} : memref<16x1024xf32, #tpu.memory_space<vmem>>, vector<1x16xf32>,
        %parallel_loop3A_295 = vector.shape_cast %parallel_loop3A_294 : vector<1x16xf32> to vector<16xf32>
        %parallel_loop3A_296 = arith.addf %parallel_loop3A_291, %parallel_loop3A_295 : vector<16xf32>
        %parallel_loop3A_297 = arith.index_cast %parallel_loop3A_279 : i32 to index
        %parallel_loop3A_298 = arith.index_cast %parallel_loop3A_284 : i32 to index
        %parallel_loop3A_299 = tpu.vector_load %arg8[%parallel_loop3A_297, %parallel_loop3A_298] {strides = array<i32>} : memref<16x1024xf32, #tpu.memory_space<vmem>>, vector<1x16xf32>,
        %parallel_loop3A_300 = vector.shape_cast %parallel_loop3A_299 : vector<1x16xf32> to vector<16xf32>
        %parallel_loop3A_301 = vector.shape_cast %parallel_loop3A_296 : vector<16xf32> to vector<1x16xf32>
        tpu.vector_store %arg8[%parallel_loop3A_297, %parallel_loop3A_298], %parallel_loop3A_301 {strides = array<i32>} : memref<16x1024xf32, #tpu.memory_space<vmem>>, vector<1x16xf32>,
      } {sc.loop_unroll_factor = 8 : i64, sc.parallel_access}
      %add3A_240 = arith.constant 16384 : i32
      %add3A_241 = arith.addi %add3A_240, %mul3A_2 : i32
      %mul3A_242 = arith.constant 16 : i32
      %mul3A_243 = arith.muli %add3A_155, %mul3A_242 : i32
      %add3A_244 = arith.addi %add3A_241, %mul3A_243 : i32
      %dma_start3A_245 = arith.constant 0 : i32
      %dma_start3A_246 = tpu.memref_slice %arg4[%add3A_244, %dma_start3A_245] : memref<32768x1024xf32, #tpu.memory_space<hbm>> -> memref<16x1024xf32, #tpu.memory_space<hbm>>
      %dma_start3A_247 = arith.constant 0 : i32
      %dma_start3A_248 = tpu.memref_slice %arg4[%add3A_244, %dma_start3A_247] : memref<32768x1024xf32, #tpu.memory_space<hbm>> -> memref<16x1024xf32, #tpu.memory_space<hbm>>
      tpu.enqueue_dma source(%arg8 : memref<16x1024xf32, #tpu.memory_space<vmem>>) target(%dma_start3A_248 : memref<16x1024xf32, #tpu.memory_space<hbm>>) target_semaphore(%arg20 : memref<!tpu.dma_semaphore, #tpu.memory_space<semaphore_mem>>)
      %dma_wait3A_249 = arith.constant 0 : i32
      %dma_wait3A_250 = tpu.memref_slice %arg5[%dma_wait3A_249] : memref<1024xi32, #tpu.memory_space<vmem>> -> memref<16xi32, #tpu.memory_space<vmem>>
      %dma_wait3A_251 = arith.constant 0 : i32
      %dma_wait3A_252 = arith.constant 0 : i32
      %dma_wait3A_253 = tpu.memref_slice %arg3[%dma_wait3A_251, %dma_wait3A_252] : memref<100000x1024xf32, #tpu.memory_space<hbm>> -> memref<100000x1024xf32, #tpu.memory_space<hbm>>
      tpu.wait_indirect_dma semaphore(%arg15 : memref<!tpu.dma_semaphore, #tpu.memory_space<semaphore_mem>>) src(%dma_wait3A_253 : memref<100000x1024xf32, #tpu.memory_space<hbm>>) dst(%arg9 : memref<16x1024xf32, #tpu.memory_space<vmem>>)
      %dma_wait3A_254 = arith.constant 0 : i32
      %dma_wait3A_255 = arith.constant 0 : i32
      %dma_wait3A_256 = tpu.memref_slice %arg4[%dma_wait3A_254, %dma_wait3A_255] : memref<32768x1024xf32, #tpu.memory_space<hbm>> -> memref<16x1024xf32, #tpu.memory_space<hbm>>
      %dma_wait3A_257 = arith.constant 0 : i32
      %dma_wait3A_258 = arith.constant 0 : i32
      %dma_wait3A_259 = tpu.memref_slice %arg4[%dma_wait3A_257, %dma_wait3A_258] : memref<32768x1024xf32, #tpu.memory_space<hbm>> -> memref<16x1024xf32, #tpu.memory_space<hbm>>
      tpu.wait_dma2 semaphore(%arg19 : memref<!tpu.dma_semaphore, #tpu.memory_space<semaphore_mem>>) src(%arg7 : memref<16x1024xf32, #tpu.memory_space<vmem>>) dst(%dma_wait3A_259 : memref<16x1024xf32, #tpu.memory_space<hbm>>)
      %lt3A_260 = arith.constant 15 : i32
      %lt3A_261 = arith.cmpi slt, %add3A_155, %lt3A_260 : i32
      %convert_element_type3A_262 = arith.extui %lt3A_261 : i1 to i32
      %cond3A_263 = arith.constant 0 : i32
      %cond3A_264 = arith.cmpi ne, %convert_element_type3A_262, %cond3A_263 : i32
      scf.if %cond3A_264 {
        %add3A_277 = arith.constant 1 : i32
        %add3A_278 = arith.addi %add3A_155, %add3A_277 : i32
        %mul3A_279 = arith.constant 16 : i32
        %mul3A_280 = arith.muli %add3A_278, %mul3A_279 : i32
        %add3A_281 = arith.constant 256 : i32
        %add3A_282 = arith.addi %add3A_281, %mul3A_280 : i32
        %dma_start3A_283 = tpu.memref_slice %arg5[%add3A_282] : memref<1024xi32, #tpu.memory_space<vmem>> -> memref<16xi32, #tpu.memory_space<vmem>>
        %dma_start3A_284 = arith.constant 0 : i32
        %dma_start3A_285 = arith.constant 0 : i32
        %dma_start3A_286 = tpu.memref_slice %arg3[%dma_start3A_284, %dma_start3A_285] : memref<100000x1024xf32, #tpu.memory_space<hbm>> -> memref<100000x1024xf32, #tpu.memory_space<hbm>>
        tpu.enqueue_indirect_dma source(%dma_start3A_286 : memref<100000x1024xf32, #tpu.memory_space<hbm>>) target(%arg7 : memref<16x1024xf32, #tpu.memory_space<vmem>>) offsets(%dma_start3A_283 : memref<16xi32, #tpu.memory_space<vmem>>) semaphore(%arg13 : memref<!tpu.dma_semaphore, #tpu.memory_space<semaphore_mem>>)
      } else {
      }
      %parallel_loop3A_265 = arith.constant 0 : i32
      %parallel_loop3A_266 = arith.constant 1024 : i32
      %parallel_loop3A_267 = arith.constant 1 : i32
      scf.for %parallel_loop3A_277 = %parallel_loop3A_265 to %parallel_loop3A_266 step %parallel_loop3A_267  : i32 {
        %parallel_loop3A_278 = arith.constant 6 : i32
        %parallel_loop3A_279 = arith.shrui %parallel_loop3A_277, %parallel_loop3A_278 : i32
        %parallel_loop3A_280 = arith.constant 63 : i32
        %parallel_loop3A_281 = arith.andi %parallel_loop3A_277, %parallel_loop3A_280 : i32
        %parallel_loop3A_282 = arith.constant 4 : i32
        %parallel_loop3A_283 = arith.shli %parallel_loop3A_281, %parallel_loop3A_282 : i32
        %parallel_loop3A_284 = tpu.assume_multiple %parallel_loop3A_283, 16 : i32
        %parallel_loop3A_285 = arith.index_cast %parallel_loop3A_279 : i32 to index
        %parallel_loop3A_286 = arith.index_cast %parallel_loop3A_284 : i32 to index
        %parallel_loop3A_287 = tpu.vector_load %arg9[%parallel_loop3A_285, %parallel_loop3A_286] {strides = array<i32>} : memref<16x1024xf32, #tpu.memory_space<vmem>>, vector<1x16xf32>,
        %parallel_loop3A_288 = vector.shape_cast %parallel_loop3A_287 : vector<1x16xf32> to vector<16xf32>
        %parallel_loop3A_289 = arith.constant 3.200000e+01 : f32
        %parallel_loop3A_290 = vector.broadcast %parallel_loop3A_289 : f32 to vector<16xf32>
        %parallel_loop3A_291 = arith.mulf %parallel_loop3A_288, %parallel_loop3A_290 : vector<16xf32>
        %parallel_loop3A_292 = arith.index_cast %parallel_loop3A_279 : i32 to index
        %parallel_loop3A_293 = arith.index_cast %parallel_loop3A_284 : i32 to index
        %parallel_loop3A_294 = tpu.vector_load %arg11[%parallel_loop3A_292, %parallel_loop3A_293] {strides = array<i32>} : memref<16x1024xf32, #tpu.memory_space<vmem>>, vector<1x16xf32>,
        %parallel_loop3A_295 = vector.shape_cast %parallel_loop3A_294 : vector<1x16xf32> to vector<16xf32>
        %parallel_loop3A_296 = arith.addf %parallel_loop3A_291, %parallel_loop3A_295 : vector<16xf32>
        %parallel_loop3A_297 = arith.index_cast %parallel_loop3A_279 : i32 to index
        %parallel_loop3A_298 = arith.index_cast %parallel_loop3A_284 : i32 to index
        %parallel_loop3A_299 = tpu.vector_load %arg9[%parallel_loop3A_297, %parallel_loop3A_298] {strides = array<i32>} : memref<16x1024xf32, #tpu.memory_space<vmem>>, vector<1x16xf32>,
        %parallel_loop3A_300 = vector.shape_cast %parallel_loop3A_299 : vector<1x16xf32> to vector<16xf32>
        %parallel_loop3A_301 = vector.shape_cast %parallel_loop3A_296 : vector<16xf32> to vector<1x16xf32>
        tpu.vector_store %arg9[%parallel_loop3A_297, %parallel_loop3A_298], %parallel_loop3A_301 {strides = array<i32>} : memref<16x1024xf32, #tpu.memory_space<vmem>>, vector<1x16xf32>,
      } {sc.loop_unroll_factor = 8 : i64, sc.parallel_access}
      %add3A_268 = arith.constant 24576 : i32
      %add3A_269 = arith.addi %add3A_268, %mul3A_2 : i32
      %mul3A_270 = arith.constant 16 : i32
      %mul3A_271 = arith.muli %add3A_155, %mul3A_270 : i32
      %add3A_272 = arith.addi %add3A_269, %mul3A_271 : i32
      %dma_start3A_273 = arith.constant 0 : i32
      %dma_start3A_274 = tpu.memref_slice %arg4[%add3A_272, %dma_start3A_273] : memref<32768x1024xf32, #tpu.memory_space<hbm>> -> memref<16x1024xf32, #tpu.memory_space<hbm>>
      %dma_start3A_275 = arith.constant 0 : i32
      %dma_start3A_276 = tpu.memref_slice %arg4[%add3A_272, %dma_start3A_275] : memref<32768x1024xf32, #tpu.memory_space<hbm>> -> memref<16x1024xf32, #tpu.memory_space<hbm>>
      tpu.enqueue_dma source(%arg9 : memref<16x1024xf32, #tpu.memory_space<vmem>>) target(%dma_start3A_276 : memref<16x1024xf32, #tpu.memory_space<hbm>>) target_semaphore(%arg21 : memref<!tpu.dma_semaphore, #tpu.memory_space<semaphore_mem>>)
    }
    %scan3A_19 = arith.constant 8 : i32
    %dma_wait3A = arith.constant 0 : i32
    %dma_wait3A_20 = arith.constant 0 : i32
    %dma_wait3A_21 = tpu.memref_slice %arg4[%dma_wait3A, %dma_wait3A_20] : memref<32768x1024xf32, #tpu.memory_space<hbm>> -> memref<16x1024xf32, #tpu.memory_space<hbm>>
    %dma_wait3A_22 = arith.constant 0 : i32
    %dma_wait3A_23 = arith.constant 0 : i32
    %dma_wait3A_24 = tpu.memref_slice %arg4[%dma_wait3A_22, %dma_wait3A_23] : memref<32768x1024xf32, #tpu.memory_space<hbm>> -> memref<16x1024xf32, #tpu.memory_space<hbm>>
    tpu.wait_dma2 semaphore(%arg20 : memref<!tpu.dma_semaphore, #tpu.memory_space<semaphore_mem>>) src(%arg8 : memref<16x1024xf32, #tpu.memory_space<vmem>>) dst(%dma_wait3A_24 : memref<16x1024xf32, #tpu.memory_space<hbm>>)
    %dma_wait3A_25 = arith.constant 0 : i32
    %dma_wait3A_26 = arith.constant 0 : i32
    %dma_wait3A_27 = tpu.memref_slice %arg4[%dma_wait3A_25, %dma_wait3A_26] : memref<32768x1024xf32, #tpu.memory_space<hbm>> -> memref<16x1024xf32, #tpu.memory_space<hbm>>
    %dma_wait3A_28 = arith.constant 0 : i32
    %dma_wait3A_29 = arith.constant 0 : i32
    %dma_wait3A_30 = tpu.memref_slice %arg4[%dma_wait3A_28, %dma_wait3A_29] : memref<32768x1024xf32, #tpu.memory_space<hbm>> -> memref<16x1024xf32, #tpu.memory_space<hbm>>
    tpu.wait_dma2 semaphore(%arg21 : memref<!tpu.dma_semaphore, #tpu.memory_space<semaphore_mem>>) src(%arg9 : memref<16x1024xf32, #tpu.memory_space<vmem>>) dst(%dma_wait3A_30 : memref<16x1024xf32, #tpu.memory_space<hbm>>)
    return
  }
}

</mosaic_0001>

<sc_bundles>
// kernel: kernel.3.cloned.1.call-start
scs
__scs_entry_jumppad:
0x0: {  	(pc) =	sbr.rel $0x88, $3  }
0x1: {  	(tag) =	ssettag $0x0;
	lr =	simm.s32 $0x1  }
0x2: {  	[smem:$0x3F9F] =	sst lr;
	_ =	strace $0xD0000000  }
0x3: {  	_ = 	snop  }
0x4: {  	_ = 	snop  }
0x5: {  	_ = 	snop  }
0x6: {  	_ = 	snop  }
0x7: {  	_ = 	snop  }
__scs_overlays_trampoline_lowered:
0x8: {  	[smem:$0x3FAE] =	sst s0  }
0x9: {  	[smem:$0x3FAF] =	sst s1  }
0xa: {  	[smem:$0x3FB0] =	sst s2  }
0xb: {  	[smem:$0x3FB1] =	sst s3  }
0xc: {  	[smem:$0x3FB2] =	sst s4  }
0xd: {  	[smem:$0x3FB3] =	sst s5  }
0xe: {  	[smem:$0x3FB4] =	sst s6  }
0xf: {  	[smem:$0x3FB5] =	sst s7  }
0x10: {  	[smem:$0x3FB6] =	sst s8  }
0x11: {  	[smem:$0x3FB7] =	sst s9;
	s0 =	simm.s32 @!p0 $0x0  }
0x12: {  	s1 =	sld [smem:$0x3F9D];
	s0 =	simm.s32 @p0 $0x1  }
0x13: {  	[smem:$0x3FB8] =	sst s0;
	s0 =	simm.s32 @!p1 $0x0  }
0x14: {  	s2 =	sld [smem:$0x3F9C];
	s0 =	simm.s32 @p1 $0x1  }
0x15: {  	[smem:$0x3FB9] =	sst s0;
	s0 =	simm.s32 @!p2 $0x0  }
0x16: {  	s3 =	sld [smem:$0x3FDB];
	s0 =	simm.s32 @p2 $0x1  }
0x17: {  	s4 =	simm.s32 $0x1BF5;
	[smem:$0x3FBB] =	sst s0  }
0x18: {  	s0 =	sld [smem:$0x3F9E];
	_ =	swait.ge [sflag:s4], $0x0  }
0x19: {  	s7 =	sld [smem:$0x3F9F]  }
0x1a: {  	s8 =	sadd.s32 $0xFFFFE003, lr  }
0x1b: {  	s9 =	sadd.s32 $0xFFFFFEF7, lr;
	s5 =	simm.s32 $0xFFFFFFFF;
	p2 =	slt.u32 s8, $0xFFFFF086  }
0x1c: {  	p1 =	slt.u32 s9, $0xF7A;
	s5 =	simm.s32 @!p2 $0x0  }
0x1d: {  	s5 =	simm.s32 @p1 $0x1;
	p0 =	seq.s32 s7, s2  }
0x1e: {  	s7 =	smul.u32 @!p0 $0xF7A, s2;
	p2 =	seq.s32 @!p0 s5, $0x0  }
0x1f: {  	s9 =	smul.u32 $0xF7A, s1;
	s8 =	simm.s32 @!p0 $0x1BF5;
	p2 =	por !p2, p0  }
0x20: {  	[sflag:s8] =	ssyncset.s32 @!p0 $0xFFFFF086;
	s6 =	sadd.s32 @!p0 s3, s7;
	s7 =	simm.s32 @!p0 $0x108  }
0x21: {  	s3 =	sadd.s32 s3, s9;
	s6 =	sadd.s32 @!p0 $0x88, s6;
	s7 =	simm.s32 @p2 $0x1082  }
0x22: {  	[simem:s7], [sflag:s8] =	dma.local @!p0 [hbm:s6], $0xF7A  }
0x23: {  	s9 =	sor.u32 $0xD0000000, s2;
	s6 =	simm.s32 $0x108;
	_ =	swait.ge @!p0 [sflag:s8], $0x0  }
0x24: {  	s3 =	sadd.s32 $0x88, s3;
	s6 =	simm.s32 @!p1 $0x1082;
	[sflag:s4] =	ssyncset.s32 $0xFFFFF086  }
0x25: {  	[simem:s6], [sflag:s4] =	dma.local [hbm:s3], $0xF7A  }
0x26: {  	[smem:$0x3F9F] =	sst s1;
	(tag) =	ssettag s2;
	_ =	strace s9  }
0x27: {  	s1 =	sld [smem:$0x3FAF]  }
0x28: {  	s2 =	sld [smem:$0x3FB0]  }
0x29: {  	s4 =	sld [smem:$0x3FB2]  }
0x2a: {  	p0 =	seq.s32 s5, $0x0;
	s5 =	sld [smem:$0x3FB3]  }
0x2b: {  	s6 =	sld [smem:$0x3FB4]  }
0x2c: {  	s7 =	sld [smem:$0x3FB5]  }
0x2d: {  	s3 =	simm.s32 $0x108;
	s8 =	sld [smem:$0x3FB6]  }
0x2e: {  	s3 =	simm.s32 @!p0 $0x1082;
	s9 =	sld [smem:$0x3FB7]  }
0x2f: {  	lr =	sadd.s32 s0, s3;
	s0 =	sld [smem:$0x3FAE]  }
0x30: {  	s3 =	sld [smem:$0x3FB1]  }
0x31: {  	[smem:$0x3FBA] =	sst s10  }
0x32: {  	s10 =	sld [smem:$0x3FB8];
	_ =	sdelay $0x3  }
0x33: {  	p0 =	seq.s32 s10, $0x1;
	s10 =	sld [smem:$0x3FBA];
	_ =	sdelay $0x3  }
0x34: {  	[smem:$0x3FBA] =	sst s10  }
0x35: {  	s10 =	sld [smem:$0x3FB9];
	_ =	sdelay $0x3  }
0x36: {  	p1 =	seq.s32 s10, $0x1;
	s10 =	sld [smem:$0x3FBA];
	_ =	sdelay $0x3  }
0x37: {  	[smem:$0x3FBA] =	sst s10  }
0x38: {  	s10 =	sld [smem:$0x3FBB]  }
0x39: {  	_ = 	snop;
	(pc) =	sbr.ind lr, $3  }
0x3a: {  	_ = 	snop  }
0x3b: {  	_ = 	snop  }
0x3c: {  	p2 =	seq.s32 s10, $0x1;
	s10 =	sld [smem:$0x3FBA]  }
0x3d: {  	_ =	shalt  }
0x3e: {  	_ =	shalt  }
0x3f: {  	_ =	shalt  }
0x40: {  	_ =	shalt  }
0x41: {  	_ =	shalt  }
0x42: {  	_ =	shalt  }
0x43: {  	_ =	shalt  }
0x44: {  	_ =	shalt  }
0x45: {  	_ =	shalt  }
0x46: {  	_ =	shalt  }
0x47: {  	_ =	shalt  }
0x48: {  	_ =	shalt  }
0x49: {  	_ =	shalt  }
0x4a: {  	_ =	shalt  }
0x4b: {  	_ =	shalt  }
0x4c: {  	_ =	shalt  }
0x4d: {  	_ =	shalt  }
0x4e: {  	_ =	shalt  }
0x4f: {  	_ =	shalt  }
0x50: {  	_ =	shalt  }
0x51: {  	_ =	shalt  }
0x52: {  	_ =	shalt  }
0x53: {  	_ =	shalt  }
0x54: {  	_ =	shalt  }
0x55: {  	_ =	shalt  }
0x56: {  	_ =	shalt  }
0x57: {  	_ =	shalt  }
0x58: {  	_ =	shalt  }
0x59: {  	_ =	shalt  }
0x5a: {  	_ =	shalt  }
0x5b: {  	_ =	shalt  }
0x5c: {  	_ =	shalt  }
0x5d: {  	_ =	shalt  }
0x5e: {  	_ =	shalt  }
0x5f: {  	_ =	shalt  }
0x60: {  	_ =	shalt  }
0x61: {  	_ =	shalt  }
0x62: {  	_ =	shalt  }
0x63: {  	_ =	shalt  }
0x64: {  	_ =	shalt  }
0x65: {  	_ =	shalt  }
0x66: {  	_ =	shalt  }
0x67: {  	_ =	shalt  }
0x68: {  	_ =	shalt  }
0x69: {  	_ =	shalt  }
0x6a: {  	_ =	shalt  }
0x6b: {  	_ =	shalt  }
0x6c: {  	_ =	shalt  }
0x6d: {  	_ =	shalt  }
0x6e: {  	_ =	shalt  }
0x6f: {  	_ =	shalt  }
0x70: {  	_ =	shalt  }
0x71: {  	_ =	shalt  }
0x72: {  	_ =	shalt  }
0x73: {  	_ =	shalt  }
0x74: {  	_ =	shalt  }
0x75: {  	_ =	shalt  }
0x76: {  	_ =	shalt  }
0x77: {  	_ =	shalt  }
0x78: {  	_ =	shalt  }
0x79: {  	_ =	shalt  }
0x7a: {  	_ =	shalt  }
0x7b: {  	_ =	shalt  }
0x7c: {  	_ =	shalt  }
0x7d: {  	_ =	shalt  }
0x7e: {  	_ =	shalt  }
0x7f: {  	_ =	shalt  }
0x80: {  	_ =	shalt  }
0x81: {  	_ =	shalt  }
0x82: {  	_ =	shalt  }
0x83: {  	_ =	shalt  }
0x84: {  	_ =	shalt  }
0x85: {  	_ =	shalt  }
0x86: {  	_ =	shalt  }
0x87: {  	_ =	shalt  }
.Lfunc_end0:
.L_simem_size_0:
called_computation_lowered:
.L_overlay_start_0:
0x88: {  	s2 =	sld [smem:$0x3FD9]  }
0x89: {  	s3 =	sld [smem:$0x3FFE];
	_ =	sdelay $0x1  }
0x8a: {  	s1 =	srdreg.scid  }
0x8b: {  	s0 =	sand.u32 $0x1, s1  }
0x8c: {  	s18 =	sshll.u32 s0, $0xA;
	s2 =	sadd.s32 s3, s2  }
0x8d: {  	s2 =	sadd.s32 s2, s18  }
0x8e: {  	[smem:$0x3FC6] =	sst s2  }
0x8f: {  	_ = 	snop  }
0x90: {  	s2 =	sld [smem:$0x3FC9]  }
0x91: {  	s19 =	sld [smem:$0x3FC8]  }
0x92: {  	s4 =	sld [smem:$0x3FD0];
	(tm) =	ssettm $0x1  }
0x93: {  	s5 =	sld [smem:$0x3FFB];
	_ =	sdelay $0x3  }
0x94: {  	_ =	strace s5  }
0x95: {  	s5 =	sld [smem:$0x3FFC];
	_ =	sdelay $0x3  }
0x96: {  	_ =	strace s5  }
0x97: {  	s5 =	sld [smem:$0x3FFD];
	_ =	sdelay $0x3  }
0x98: {  	_ =	strace s5  }
0x99: {  	_ =	strace $0x8FFFFFFF  }
0x9a: {  	s20 =	sld [smem:$0x3FDB];
	_ =	sdelay $0x1  }
0x9b: {  	s6 =	simm.s32 $_scs_section_size  }
0x9c: {  	s7 =	simm.s32 $_size__tile_overlayer_lowered;
	s8 =	simm.s32 $_tile_overlayer_lowered  }
0x9d: {  	s23 =	simm.s32 $0x1BFF;
	s22 =	sshll.u32 s8, $0x1;
	s5 =	sadd.s32 s6, s20  }
0x9e: {  	s9 =	simm.s32 $0x0;
	s21 =	sshll.u32 s7, $0x1;
	s7 =	sadd.s32 s22, s5  }
0x9f: {  	[timem:s9], [sflag:s23] =	dma.local [hbm:s7], s21  }
0xa0: {  	_ =	swait.ge [sflag:s23], s21  }
0xa1: {  	s6 =	ssub.s32 $0x0, s21;
	[sflag:s23] =	ssyncset.done $0x0  }
0xa2: {  	[sflag:s23] =	ssyncadd.s32 s6;
	_ =	sdelay $0x1  }
0xa3: {  	s24 =	simm.s32 $0x1B8B  }
0xa4: {  	_ =	swait.ge [sflag:s24], $0x1  }
0xa5: {  	[sflag:s24] =	ssyncset.done $0x0  }
0xa6: {  	s25 =	simm.s32 $0x1B8E;
	[sflag:s24] =	ssyncadd.s32 $0xFFFFFFFF  }
0xa7: {  	s26 =	simm.s32 $execute0_lowered;
	[smem:$0x3FD2] =	sst s25  }
0xa8: {  	s6 =	sshll.u32 s26, $0x1;
	_ =	strace $0x80000046;
	[dreg:$0x1] =	wrdreg $0xFFFFFFFF  }
0xa9: {  	s28 =	simm.s32 $_size_execute0_lowered;
	s5 =	sadd.s32 s5, s6;
	[dreg:$0x0] =	wrdreg $0x0  }
0xaa: {  	s6 =	sshll.u32 s28, $0x1;
	[dreg:$0x2] =	wrdreg s5  }
0xab: {  	[dreg:$0x3] =	wrdreg s6  }
0xac: {  	[dreg:$0x4] =	wrdreg $0xC0  }
0xad: {  	_ =	task [dreg:s9], $0x5FFFF  }
0xae: {  	[dreg:$0x1] =	wrdreg $0xFFFFFFFF  }
0xaf: {  	[dreg:$0x0] =	wrdreg $0x60  }
0xb0: {  	[dreg:$0x2] =	wrdreg s2  }
0xb1: {  	[dreg:$0x3] =	wrdreg s19  }
0xb2: {  	[dreg:$0x4] =	wrdreg s4  }
0xb3: {  	[dreg:$0x5] =	wrdreg $0x9  }
0xb4: {  	_ =	task.clear_ibuf [dreg:s9], $0x6FFFF;
	_ =	strace $0x90000046  }
0xb5: {  	s29 =	simm.s32 $0x9;
	_ =	strace $0x80000048  }
0xb6: {  	_ =	swait.ge [sflag:s29], $0x1  }
0xb7: {  	[sflag:s29] =	ssyncadd.s32 $0xFFFFFFFF  }
0xb8: {  	_ =	strace $0x90000048  }
0xb9: {  	_ =	sfence  }
0xba: {  	s30 =	sld [smem:$0x0];
	_ =	sdelay $0x2  }
0xbb: {  	s31 =	sshll.u32 s1, $0xD;
	s1 =	sshrl.u32 s1, $0x2  }
0xbc: {  	s3 =	sand.u32 $0x4000, s31;
	s1 =	sadd.s32 s1, s30  }
0xbd: {  	s0 =	sor.u32 s3, s0;
	s1 =	sshll.u32 s1, $0x11  }
0xbe: {  	s0 =	sor.u32 s1, s0  }
0xbf: {  	s0 =	sadd.s32 $0x8F2B, s0  }
0xc0: {  	[sflag:s0] =	ssyncadd.remote.s32 $0x1  }
0xc1: {  	_ =	sfence.sel $0xFFFF  }
0xc2: {  	[dreg:$0x0] =	wrdreg $0xFFFFFFFF;
	(pc) =	sbr.abs _section_cstart, $3  }
0xc3: {  	[dreg:$0x1] =	wrdreg $0xFFFFFFFF  }
0xc4: {  	_ =	task.clear_ibuf [dreg:s9], $0x2FFFF;
	_ =	strace $0x9FFFFFFF  }
0xc5: {  	(tm) =	ssettm $0x7FFFFFFF  }
tec
execute0_lowered:
.L_overlay_start_1:
0x0: {  	(tag) =	ssettag $0x1  }
0x1: {  	s0 =	rddreg [dreg:$0x0];
	s1 =	srdreg.scid  }
0x2: {  	s2 =	rddreg [dreg:$0x1];
	s4 =	stileid.u32  }
0x3: {  	s3 =	rddreg [dreg:$0x2];
	s16 =	simm.s32 $0x1;
	s28 =	simm.s32 $0x2  }
0x4: {  	s29 =	simm.s32 $0xC400;
	s9 =	simm.s32 $0x3;
	s17 =	simm.s32 $0x5  }
0x5: {  	s18 =	simm.s32 $0x4;
	s19 =	simm.s32 $0x6;
	s23 =	simm.s32 $0x7  }
0x6: {  	s24 =	simm.s32 $0x8;
	s1 =	sand.u32 $0x1, s1;
	s5 =	sshll.u32 s4, $0x9  }
0x7: {  	s4 =	simm.s32 $0x0;
	s10 =	sadd.s32 $0x100, s2;
	s6 =	sshll.u32 s1, $0x8  }
0x8: {  	s11 =	sadd.s32 $0x200, s2;
	s1 =	ssub.s32 $0x2, s1;
	s5 =	sor.u32 s6, s5  }
0x9: {  	s12 =	sadd.s32 $0x300, s2;
	s7 =	sshrl.u32 s1, $0x1;
	s6 =	sshrl.u32 s5, $0x1  }
0xa: {  	[smem:$0x7FF] =	sst s4;
	s25 =	ssub.s32 s1, s7;
	s6 =	sadd.s32 s0, s6  }
0xb: {  	_ =	strace $0x80000047;
	s0 =	smax.u32 s25, $0x1;
	[dreg:$0x4] =	wrdreg s6  }
0xc: {  	s13 =	sor.u32 $0x2000, s5;
	s26 =	sadd.s32 $0x10, s6;
	[dreg:$0x8] =	wrdreg s0  }
0xd: {  	v2 =	vlaneseq.u32;
	s14 =	sor.u32 $0x4000, s5;
	s30 =	sadd.s32 $0x20, s6;
	[dreg:$0x5] =	wrdreg s26  }
0xe: {  	vm0 =	vmmov $0xffff;
	v1 =	vshrl.u32 v2, $0x3;
	s15 =	sor.u32 $0x6000, s5;
	s31 =	sadd.s32 $0x30, s6;
	[dreg:$0x6] =	wrdreg s30  }
0xf: {  	v0 =	vand.u32 $0x7, v2;
	v2 =	vor.u32 $0x8, v2;
	v1 =	vmul.u32 $0x8, v1;
	s1 =	simm.s32 $0x0;
	s6 =	simm.s32 $0x8400;
	[dreg:$0x7] =	wrdreg s31  }
.LBB2_1:
0x10: {  	[dreg:$0x9] =	wrdreg s1  }
0x11: {  	s0 =	rddreg [dreg:$0x4]  }
0x12: {  	s22 =	simm.s32 $0x80;
	s7 =	simm.s32 $0x200;
	s8 =	simm.s32 $0x9  }
0x13: {  	[tilespmem:s4], [sflag:$0x9] =	stream.strided.gather [hbm4b:s0+s22], $0x100, s7, s22, $0x38;
	[tilespmem:$0x18400] =	vst v63  }
0x14: {  	_ =	swait.ge [sflag:s8], $0x100  }
0x15: {  	[sflag:s8] =	ssyncset.done $0x0  }
0x16: {  	s20 =	simm.s32 $0x100;
	s25 =	rddreg [dreg:$0x5];
	[sflag:s8] =	ssyncadd.s32 $0xFFFFFF00  }
0x17: {  	[tilespmem:s20], [sflag:$0x9] =	stream.strided.gather [hbm4b:s25+s22], $0x100, s7, s22, $0x38;
	[tilespmem:$0x18400] =	vst v63  }
0x18: {  	_ =	swait.ge [sflag:s8], $0x100  }
0x19: {  	[sflag:s8] =	ssyncset.done $0x0  }
0x1a: {  	s26 =	rddreg [dreg:$0x6];
	[sflag:s8] =	ssyncadd.s32 $0xFFFFFF00  }
0x1b: {  	[tilespmem:s7], [sflag:$0x9] =	stream.strided.gather [hbm4b:s26+s22], $0x100, s7, s22, $0x38;
	[tilespmem:$0x18400] =	vst v63  }
0x1c: {  	_ =	swait.ge [sflag:s8], $0x100  }
0x1d: {  	[sflag:s8] =	ssyncset.done $0x0  }
0x1e: {  	s31 =	simm.s32 $0x300;
	s30 =	rddreg [dreg:$0x7];
	[sflag:s8] =	ssyncadd.s32 $0xFFFFFF00  }
0x1f: {  	[tilespmem:s31], [sflag:$0x9] =	stream.strided.gather [hbm4b:s30+s22], $0x100, s7, s22, $0x38;
	[tilespmem:$0x18400] =	vst v63  }
0x20: {  	_ =	swait.ge [sflag:s8], $0x100  }
0x21: {  	[sflag:s8] =	ssyncset.done $0x0  }
0x22: {  	[sflag:s8] =	ssyncadd.s32 $0xFFFFFF00  }
0x23: {  	v3 =	vld [tilespmem:$0x0];
	_ =	sdelay $0x4  }
0x24: {  	v4 =	vshll.u32 v3, $0x3  }
0x25: {  	v3 =	vand.u32 $0x7, v3;
	v4 =	vand.u32 $0xFFFFFFC0, v4  }
0x26: {  	v3 =	vor.u32 v3, v4  }
0x27: {  	v4 =	vperm.xlane v3, v0;
	_ =	sdelay $0x1  }
0x28: {  	v4 =	vadd.s32 v1, v4;
	_ =	sdelay $0x3  }
0x29: {  	s21 =	simm.s32 $0x400  }
0x2a: {  	[tilespmem:s21], [sflag:$0x1] =	stream.indirect_vreg.gather [hbm4b:s2+s4], $0x80, v4, vm0, $0xb8;
	[tilespmem:$0x18400] =	vst v63  }
0x2b: {  	s22 =	simm.s32 $0xC00;
	v3 =	vperm.xlane v3, v2  }
0x2c: {  	[tilespmem:s22], [sflag:$0x1] =	stream.indirect_vreg.gather [hbm4b:s10+s4], $0x80, v4, vm0, $0xb8;
	[tilespmem:$0x18400] =	vst v63  }
0x2d: {  	s25 =	simm.s32 $0x1400;
	v3 =	vadd.s32 v1, v3  }
0x2e: {  	[tilespmem:s25], [sflag:$0x1] =	stream.indirect_vreg.gather [hbm4b:s11+s4], $0x80, v4, vm0, $0xb8;
	[tilespmem:$0x18400] =	vst v63  }
0x2f: {  	s26 =	simm.s32 $0x1C00  }
0x30: {  	[tilespmem:s26], [sflag:$0x1] =	stream.indirect_vreg.gather [hbm4b:s12+s4], $0x80, v4, vm0, $0xb8;
	[tilespmem:$0x18400] =	vst v63  }
0x31: {  	s30 =	simm.s32 $0x2400  }
0x32: {  	[tilespmem:s30], [sflag:$0x1] =	stream.indirect_vreg.gather [hbm4b:s2+s4], $0x80, v3, vm0, $0xb8;
	[tilespmem:$0x18400] =	vst v63  }
0x33: {  	s31 =	simm.s32 $0x2C00  }
0x34: {  	[tilespmem:s31], [sflag:$0x1] =	stream.indirect_vreg.gather [hbm4b:s10+s4], $0x80, v3, vm0, $0xb8;
	[tilespmem:$0x18400] =	vst v63  }
0x35: {  	s1 =	simm.s32 $0x3400  }
0x36: {  	[tilespmem:s1], [sflag:$0x1] =	stream.indirect_vreg.gather [hbm4b:s11+s4], $0x80, v3, vm0, $0xb8;
	[tilespmem:$0x18400] =	vst v63  }
0x37: {  	s7 =	simm.s32 $0x3C00  }
0x38: {  	[tilespmem:s7], [sflag:$0x1] =	stream.indirect_vreg.gather [hbm4b:s12+s4], $0x80, v3, vm0, $0xb8;
	[tilespmem:$0x18400] =	vst v63  }
0x39: {  	v3 =	vld [tilespmem:$0x100];
	_ =	sdelay $0x4  }
0x3a: {  	v63 =	vshll.u32 v3, $0x3  }
0x3b: {  	v3 =	vand.u32 $0x7, v3;
	v4 =	vand.u32 $0xFFFFFFC0, v63  }
0x3c: {  	v3 =	vor.u32 v3, v4  }
0x3d: {  	v4 =	vperm.xlane v3, v0;
	_ =	sdelay $0x1  }
0x3e: {  	v4 =	vadd.s32 v1, v4;
	_ =	sdelay $0x3  }
0x3f: {  	s8 =	simm.s32 $0x4400  }
0x40: {  	[tilespmem:s8], [sflag:$0x2] =	stream.indirect_vreg.gather [hbm4b:s2+s4], $0x80, v4, vm0, $0xb8;
	[tilespmem:$0x18400] =	vst v63  }
0x41: {  	s20 =	simm.s32 $0x4C00;
	v3 =	vperm.xlane v3, v2  }
0x42: {  	[tilespmem:s20], [sflag:$0x2] =	stream.indirect_vreg.gather [hbm4b:s10+s4], $0x80, v4, vm0, $0xb8;
	[tilespmem:$0x18400] =	vst v63  }
0x43: {  	s21 =	simm.s32 $0x5400;
	v3 =	vadd.s32 v1, v3  }
0x44: {  	[tilespmem:s21], [sflag:$0x2] =	stream.indirect_vreg.gather [hbm4b:s11+s4], $0x80, v4, vm0, $0xb8;
	[tilespmem:$0x18400] =	vst v63  }
0x45: {  	s22 =	simm.s32 $0x5C00  }
0x46: {  	[tilespmem:s22], [sflag:$0x2] =	stream.indirect_vreg.gather [hbm4b:s12+s4], $0x80, v4, vm0, $0xb8;
	[tilespmem:$0x18400] =	vst v63  }
0x47: {  	s25 =	simm.s32 $0x6400  }
0x48: {  	[tilespmem:s25], [sflag:$0x2] =	stream.indirect_vreg.gather [hbm4b:s2+s4], $0x80, v3, vm0, $0xb8;
	[tilespmem:$0x18400] =	vst v63  }
0x49: {  	s26 =	simm.s32 $0x6C00  }
0x4a: {  	[tilespmem:s26], [sflag:$0x2] =	stream.indirect_vreg.gather [hbm4b:s10+s4], $0x80, v3, vm0, $0xb8;
	[tilespmem:$0x18400] =	vst v63  }
0x4b: {  	s30 =	simm.s32 $0x7400  }
0x4c: {  	[tilespmem:s30], [sflag:$0x2] =	stream.indirect_vreg.gather [hbm4b:s11+s4], $0x80, v3, vm0, $0xb8;
	[tilespmem:$0x18400] =	vst v63  }
0x4d: {  	s31 =	simm.s32 $0x7C00;
	s25 =	simm.s32 $0x0  }
0x4e: {  	[tilespmem:s31], [sflag:$0x2] =	stream.indirect_vreg.gather [hbm4b:s12+s4], $0x80, v3, vm0, $0xb8;
	[tilespmem:$0x18400] =	vst v63  }
.LBB2_2:
0x4f: {  	_ =	swait.ge [sflag:s16], $0x4000  }
0x50: {  	p0 =	seq.s32 s25, $0x0;
	[sflag:s16] =	ssyncset.done $0x0  }
0x51: {  	s0 =	simm.s32 @!p0 $0x7;
	[sflag:s16] =	ssyncadd.s32 $0xFFFFC000  }
0x52: {  	_ =	swait.ge @!p0 [sflag:s0], $0x4000  }
0x53: {  	[sflag:s0] =	ssyncset.done @!p0 $0x0  }
0x54: {  	s30 =	sshll.u32 s25, $0x5;
	[sflag:s0] =	ssyncadd.s32 @!p0 $0xFFFFC000  }
0x55: {  	v3 =	vld [tilespmem:s30+$0x200];
	_ =	sdelay $0x4  }
0x56: {  	v4 =	vshll.u32 v3, $0x3  }
0x57: {  	v3 =	vand.u32 $0x7, v3;
	v4 =	vand.u32 $0xFFFFFFC0, v4  }
0x58: {  	v3 =	vor.u32 v3, v4  }
0x59: {  	v4 =	vperm.xlane v3, v0;
	_ =	sdelay $0x1  }
0x5a: {  	v4 =	vadd.s32 v1, v4;
	_ =	sdelay $0x3  }
0x5b: {  	s0 =	simm.s32 $0x0  }
0x5c: {  	[tilespmem:s6], [sflag:$0x3] =	stream.indirect_vreg.gather [hbm4b:s2+s0], $0x80, v4, vm0, $0xb8;
	[tilespmem:$0x18400] =	vst v63  }
0x5d: {  	s1 =	simm.s32 $0x8C00;
	v3 =	vperm.xlane v3, v2  }
0x5e: {  	[tilespmem:s1], [sflag:$0x3] =	stream.indirect_vreg.gather [hbm4b:s10+s0], $0x80, v4, vm0, $0xb8;
	[tilespmem:$0x18400] =	vst v63  }
0x5f: {  	s7 =	simm.s32 $0x9400;
	v3 =	vadd.s32 v1, v3  }
0x60: {  	[tilespmem:s7], [sflag:$0x3] =	stream.indirect_vreg.gather [hbm4b:s11+s0], $0x80, v4, vm0, $0xb8;
	[tilespmem:$0x18400] =	vst v63  }
0x61: {  	s8 =	simm.s32 $0x9C00  }
0x62: {  	[tilespmem:s8], [sflag:$0x3] =	stream.indirect_vreg.gather [hbm4b:s12+s0], $0x80, v4, vm0, $0xb8;
	[tilespmem:$0x18400] =	vst v63  }
0x63: {  	s20 =	simm.s32 $0xA400  }
0x64: {  	[tilespmem:s20], [sflag:$0x3] =	stream.indirect_vreg.gather [hbm4b:s2+s0], $0x80, v3, vm0, $0xb8;
	[tilespmem:$0x18400] =	vst v63  }
0x65: {  	s21 =	simm.s32 $0xAC00  }
0x66: {  	[tilespmem:s21], [sflag:$0x3] =	stream.indirect_vreg.gather [hbm4b:s10+s0], $0x80, v3, vm0, $0xb8;
	[tilespmem:$0x18400] =	vst v63  }
0x67: {  	s22 =	simm.s32 $0xB400  }
0x68: {  	[tilespmem:s22], [sflag:$0x3] =	stream.indirect_vreg.gather [hbm4b:s11+s0], $0x80, v3, vm0, $0xb8;
	[tilespmem:$0x18400] =	vst v63  }
0x69: {  	s26 =	simm.s32 $0xBC00;
	s31 =	sand.u32 $0x2000, s0;
	s7 =	sand.u32 $0x1C00, s0  }
0x6a: {  	[tilespmem:s26], [sflag:$0x3] =	stream.indirect_vreg.gather [hbm4b:s12+s0], $0x80, v3, vm0, $0xb8;
	[tilespmem:$0x18400] =	vst v63  }
0x6b: {  	s1 =	sor.u32 s7, s31;
	s0 =	sand.u32 $0x380, s0  }
0x6c: {  	s26 =	sor.u32 s0, s1  }
0x6d: {  	v3 =	vld [tilespmem:s26+$0x470]  }
0x6e: {  	v4 =	vld [tilespmem:s26+$0x400]  }
0x6f: {  	v5 =	vld [tilespmem:s26+$0x10470]  }
0x70: {  	v6 =	vld [tilespmem:s26+$0x410]  }
0x71: {  	v9 =	vld [tilespmem:s26+$0x420]  }
0x72: {  	v12 =	vld [tilespmem:s26+$0x430]  }
0x73: {  	v13 =	vld [tilespmem:s26+$0x440]  }
0x74: {  	v14 =	vld [tilespmem:s26+$0x450]  }
0x75: {  	v7 =	vld [tilespmem:s26+$0x460];
	v8 =	vmul.f32 $3.200000000e+01, v3  }
0x76: {  	v10 =	vld [tilespmem:s26+$0x10400]  }
0x77: {  	v11 =	vld [tilespmem:s26+$0x10410];
	v3 =	vmul.f32 $3.200000000e+01, v4;
	v9 =	vmul.f32 $3.200000000e+01, v9;
	v4 =	vadd.f32 v5, v8  }
0x78: {  	s7 =	simm.s32 $0x80;
	s20 =	simm.s32 $0x10;
	v8 =	vmul.f32 $3.200000000e+01, v6;
	v6 =	vmul.f32 $3.200000000e+01, v12;
	v12 =	vld [tilespmem:s26+$0x10420]  }
0x79: {  	s21 =	simm.s32 $0x400;
	s1 =	sshll.u32 s25, $0x1;
	s0 =	simm.s32 $0x0;
	v5 =	vmul.f32 $3.200000000e+01, v13;
	v13 =	vld [tilespmem:s26+$0x10430];
	[tilespmem:s26+$0x470] =	vst v4;
	v4 =	vmul.f32 $3.200000000e+01, v14  }
.LBB2_3:
0x7a: {  	s8 =	sand.u32 $0x2000, s7;
	s22 =	sand.u32 $0x1C00, s21;
	s0 =	sadd.s32 $0x8, s0;
	v14 =	vld [tilespmem:s26+$0x10440];
	v7 =	vmul.f32 $3.200000000e+01, v7  }
0x7b: {  	s8 =	sor.u32 s22, s8;
	s22 =	sand.u32 $0x380, s20;
	p1 =	slt.u32 s0, $0x3F8;
	v3 =	vadd.f32 v10, v3;
	v10 =	vld [tilespmem:s26+$0x10450]  }
0x7c: {  	s8 =	sor.u32 s22, s8;
	v8 =	vadd.f32 v11, v8;
	v11 =	vld [tilespmem:s26+$0x10460]  }
0x7d: {  	v15 =	vld [tilespmem:s8+$0x470];
	[tilespmem:s26+$0x400] =	vst v3;
	v3 =	vadd.f32 v12, v9  }
0x7e: {  	v9 =	vld [tilespmem:s8+$0x400];
	[tilespmem:s26+$0x410] =	vst v8;
	v6 =	vadd.f32 v13, v6  }
0x7f: {  	v8 =	vld [tilespmem:s8+$0x10470];
	[tilespmem:s26+$0x420] =	vst v3;
	v3 =	vadd.f32 v14, v5  }
0x80: {  	v5 =	vld [tilespmem:s8+$0x410];
	[tilespmem:s26+$0x430] =	vst v6;
	v4 =	vadd.f32 v10, v4  }
0x81: {  	v6 =	vld [tilespmem:s8+$0x420];
	[tilespmem:s26+$0x440] =	vst v3;
	v7 =	vadd.f32 v11, v7  }
0x82: {  	v12 =	vld [tilespmem:s8+$0x430];
	v10 =	vmul.f32 $3.200000000e+01, v15;
	[tilespmem:s26+$0x450] =	vst v4  }
0x83: {  	v3 =	vmul.f32 $3.200000000e+01, v9;
	v4 =	vld [tilespmem:s8+$0x440];
	[tilespmem:s26+$0x460] =	vst v7;
	s26 =	smov.u32 s8  }
0x84: {  	v14 =	vld [tilespmem:s26+$0x450];
	v11 =	vadd.f32 v8, v10  }
.Ltmp0:
0x85: {  	v8 =	vmul.f32 $3.200000000e+01, v5;
	v7 =	vld [tilespmem:s26+$0x460];
	(pc) =	sbr.rel @p1 .LBB2_3-.Ltmp0, $4  }
0x86: {  	v10 =	vld [tilespmem:s26+$0x10400];
	v9 =	vmul.f32 $3.200000000e+01, v6;
	[tilespmem:s26+$0x470] =	vst v11  }
0x87: {  	v11 =	vld [tilespmem:s26+$0x10410];
	v6 =	vmul.f32 $3.200000000e+01, v12  }
0x88: {  	v12 =	vld [tilespmem:s26+$0x10420];
	v5 =	vmul.f32 $3.200000000e+01, v4  }
0x89: {  	s21 =	sadd.s32 $0x400, s21;
	s7 =	sadd.s32 $0x80, s7;
	s20 =	sadd.s32 $0x10, s20;
	v13 =	vld [tilespmem:s26+$0x10430];
	v4 =	vmul.f32 $3.200000000e+01, v14  }
0x8a: {  	v14 =	vld [tilespmem:s26+$0x10440]  }
0x8b: {  	v3 =	vadd.f32 v10, v3;
	v10 =	vld [tilespmem:s26+$0x10450]  }
0x8c: {  	v8 =	vadd.f32 v11, v8;
	v11 =	vld [tilespmem:s26+$0x10460]  }
0x8d: {  	[tilespmem:s26+$0x400] =	vst v3;
	v3 =	vadd.f32 v12, v9  }
0x8e: {  	[tilespmem:s26+$0x410] =	vst v8;
	v6 =	vadd.f32 v13, v6  }
0x8f: {  	v7 =	vmul.f32 $3.200000000e+01, v7;
	[tilespmem:s26+$0x420] =	vst v3;
	v3 =	vadd.f32 v14, v5  }
0x90: {  	[tilespmem:s26+$0x430] =	vst v6;
	v4 =	vadd.f32 v10, v4  }
0x91: {  	s0 =	sadd.s32 s5, s30;
	[tilespmem:s26+$0x440] =	vst v3;
	v3 =	vadd.f32 v11, v7  }
0x92: {  	s0 =	sshll.u32 s0, $0x7;
	[tilespmem:s26+$0x450] =	vst v4  }
0x93: {  	s7 =	simm.s32 $0x400;
	s0 =	sadd.s32 s3, s0;
	[tilespmem:s26+$0x460] =	vst v3  }
0x94: {  	[hbm4b:s0+s4] =	stream.linear.scatter [tilespmem:s7], [sflag:$0x5], $0x4000, $0x38;
	[tilespmem:$0x18400] =	vst v63  }
0x95: {  	_ =	swait.ge [sflag:s28], $0x4000  }
0x96: {  	[sflag:s28] =	ssyncset.done $0x0  }
0x97: {  	s0 =	simm.s32 @!p0 $0x8;
	[sflag:s28] =	ssyncadd.s32 $0xFFFFC000  }
0x98: {  	_ =	swait.ge @!p0 [sflag:s0], $0x4000  }
0x99: {  	[sflag:s0] =	ssyncset.done @!p0 $0x0  }
0x9a: {  	[sflag:s0] =	ssyncadd.s32 @!p0 $0xFFFFC000  }
0x9b: {  	v3 =	vld [tilespmem:s30+$0x300];
	_ =	sdelay $0x4  }
0x9c: {  	v4 =	vshll.u32 v3, $0x3  }
0x9d: {  	v3 =	vand.u32 $0x7, v3;
	v4 =	vand.u32 $0xFFFFFFC0, v4  }
0x9e: {  	v3 =	vor.u32 v3, v4  }
0x9f: {  	v4 =	vperm.xlane v3, v0;
	_ =	sdelay $0x1  }
0xa0: {  	v4 =	vadd.s32 v1, v4;
	_ =	sdelay $0x3  }
0xa1: {  	s0 =	simm.s32 $0x0  }
0xa2: {  	[tilespmem:s29], [sflag:$0x4] =	stream.indirect_vreg.gather [hbm4b:s2+s0], $0x80, v4, vm0, $0xb8;
	[tilespmem:$0x18400] =	vst v63  }
0xa3: {  	s26 =	simm.s32 $0xCC00;
	v3 =	vperm.xlane v3, v2  }
0xa4: {  	[tilespmem:s26], [sflag:$0x4] =	stream.indirect_vreg.gather [hbm4b:s10+s0], $0x80, v4, vm0, $0xb8;
	[tilespmem:$0x18400] =	vst v63  }
0xa5: {  	s31 =	simm.s32 $0xD400;
	v3 =	vadd.s32 v1, v3  }
0xa6: {  	[tilespmem:s31], [sflag:$0x4] =	stream.indirect_vreg.gather [hbm4b:s11+s0], $0x80, v4, vm0, $0xb8;
	[tilespmem:$0x18400] =	vst v63  }
0xa7: {  	s8 =	simm.s32 $0xDC00  }
0xa8: {  	[tilespmem:s8], [sflag:$0x4] =	stream.indirect_vreg.gather [hbm4b:s12+s0], $0x80, v4, vm0, $0xb8;
	[tilespmem:$0x18400] =	vst v63  }
0xa9: {  	s20 =	simm.s32 $0xE400  }
0xaa: {  	[tilespmem:s20], [sflag:$0x4] =	stream.indirect_vreg.gather [hbm4b:s2+s0], $0x80, v3, vm0, $0xb8;
	[tilespmem:$0x18400] =	vst v63  }
0xab: {  	s21 =	simm.s32 $0xEC00  }
0xac: {  	[tilespmem:s21], [sflag:$0x4] =	stream.indirect_vreg.gather [hbm4b:s10+s0], $0x80, v3, vm0, $0xb8;
	[tilespmem:$0x18400] =	vst v63  }
0xad: {  	s22 =	simm.s32 $0xF400  }
0xae: {  	[tilespmem:s22], [sflag:$0x4] =	stream.indirect_vreg.gather [hbm4b:s11+s0], $0x80, v3, vm0, $0xb8;
	[tilespmem:$0x18400] =	vst v63  }
0xaf: {  	s26 =	simm.s32 $0xFC00;
	s31 =	sand.u32 $0x2000, s0;
	s8 =	sand.u32 $0x1C00, s0  }
0xb0: {  	[tilespmem:s26], [sflag:$0x4] =	stream.indirect_vreg.gather [hbm4b:s12+s0], $0x80, v3, vm0, $0xb8;
	[tilespmem:$0x18400] =	vst v63  }
0xb1: {  	s7 =	sor.u32 s8, s31;
	s0 =	sand.u32 $0x380, s0  }
0xb2: {  	s26 =	sor.u32 s0, s7  }
0xb3: {  	v3 =	vld [tilespmem:s26+$0x4470]  }
0xb4: {  	v4 =	vld [tilespmem:s26+$0x4400]  }
0xb5: {  	v5 =	vld [tilespmem:s26+$0x10470]  }
0xb6: {  	v6 =	vld [tilespmem:s26+$0x4410]  }
0xb7: {  	v7 =	vld [tilespmem:s26+$0x4420]  }
0xb8: {  	v11 =	vld [tilespmem:s26+$0x4430]  }
0xb9: {  	v12 =	vld [tilespmem:s26+$0x4440]  }
0xba: {  	v14 =	vld [tilespmem:s26+$0x4450]  }
0xbb: {  	v8 =	vld [tilespmem:s26+$0x4460];
	v9 =	vmul.f32 $3.200000000e+01, v3  }
0xbc: {  	v10 =	vld [tilespmem:s26+$0x10400]  }
0xbd: {  	v13 =	vld [tilespmem:s26+$0x10410];
	v3 =	vmul.f32 $3.200000000e+01, v4;
	v7 =	vmul.f32 $3.200000000e+01, v7;
	v4 =	vadd.f32 v5, v9  }
0xbe: {  	s20 =	simm.s32 $0x10;
	v9 =	vmul.f32 $3.200000000e+01, v6;
	v6 =	vmul.f32 $3.200000000e+01, v11;
	v11 =	vld [tilespmem:s26+$0x10420]  }
0xbf: {  	s21 =	simm.s32 $0x400;
	s0 =	simm.s32 $0x0;
	s7 =	simm.s32 $0x80;
	v5 =	vmul.f32 $3.200000000e+01, v12;
	v12 =	vld [tilespmem:s26+$0x10430];
	[tilespmem:s26+$0x4470] =	vst v4;
	v4 =	vmul.f32 $3.200000000e+01, v14  }
.LBB2_5:
0xc0: {  	s8 =	sand.u32 $0x2000, s7;
	s22 =	sand.u32 $0x1C00, s21;
	s0 =	sadd.s32 $0x8, s0;
	v14 =	vld [tilespmem:s26+$0x10440];
	v8 =	vmul.f32 $3.200000000e+01, v8  }
0xc1: {  	s8 =	sor.u32 s22, s8;
	s22 =	sand.u32 $0x380, s20;
	p0 =	slt.u32 s0, $0x3F8;
	v3 =	vadd.f32 v10, v3;
	v10 =	vld [tilespmem:s26+$0x10450]  }
0xc2: {  	s8 =	sor.u32 s22, s8;
	v9 =	vadd.f32 v13, v9;
	v13 =	vld [tilespmem:s26+$0x10460]  }
0xc3: {  	v15 =	vld [tilespmem:s8+$0x4470];
	[tilespmem:s26+$0x4400] =	vst v3;
	v3 =	vadd.f32 v11, v7  }
0xc4: {  	v7 =	vld [tilespmem:s8+$0x4400];
	[tilespmem:s26+$0x4410] =	vst v9;
	v6 =	vadd.f32 v12, v6  }
0xc5: {  	v9 =	vld [tilespmem:s8+$0x10470];
	[tilespmem:s26+$0x4420] =	vst v3;
	v3 =	vadd.f32 v14, v5  }
0xc6: {  	v5 =	vld [tilespmem:s8+$0x4410];
	[tilespmem:s26+$0x4430] =	vst v6;
	v4 =	vadd.f32 v10, v4  }
0xc7: {  	v6 =	vld [tilespmem:s8+$0x4420];
	[tilespmem:s26+$0x4440] =	vst v3;
	v8 =	vadd.f32 v13, v8  }
0xc8: {  	v11 =	vld [tilespmem:s8+$0x4430];
	v10 =	vmul.f32 $3.200000000e+01, v15;
	[tilespmem:s26+$0x4450] =	vst v4  }
0xc9: {  	v3 =	vmul.f32 $3.200000000e+01, v7;
	v4 =	vld [tilespmem:s8+$0x4440];
	[tilespmem:s26+$0x4460] =	vst v8;
	s26 =	smov.u32 s8  }
0xca: {  	v14 =	vld [tilespmem:s26+$0x4450];
	v12 =	vadd.f32 v9, v10  }
.Ltmp1:
0xcb: {  	v9 =	vmul.f32 $3.200000000e+01, v5;
	v8 =	vld [tilespmem:s26+$0x4460];
	(pc) =	sbr.rel @p0 .LBB2_5-.Ltmp1, $4  }
0xcc: {  	v10 =	vld [tilespmem:s26+$0x10400];
	v7 =	vmul.f32 $3.200000000e+01, v6;
	[tilespmem:s26+$0x4470] =	vst v12  }
0xcd: {  	v13 =	vld [tilespmem:s26+$0x10410];
	v6 =	vmul.f32 $3.200000000e+01, v11  }
0xce: {  	v11 =	vld [tilespmem:s26+$0x10420];
	v5 =	vmul.f32 $3.200000000e+01, v4  }
0xcf: {  	s21 =	sadd.s32 $0x400, s21;
	s7 =	sadd.s32 $0x80, s7;
	s20 =	sadd.s32 $0x10, s20;
	v12 =	vld [tilespmem:s26+$0x10430];
	v4 =	vmul.f32 $3.200000000e+01, v14  }
0xd0: {  	v14 =	vld [tilespmem:s26+$0x10440]  }
0xd1: {  	v3 =	vadd.f32 v10, v3;
	v10 =	vld [tilespmem:s26+$0x10450]  }
0xd2: {  	v9 =	vadd.f32 v13, v9;
	v13 =	vld [tilespmem:s26+$0x10460]  }
0xd3: {  	[tilespmem:s26+$0x4400] =	vst v3;
	v3 =	vadd.f32 v11, v7  }
0xd4: {  	[tilespmem:s26+$0x4410] =	vst v9;
	v6 =	vadd.f32 v12, v6  }
0xd5: {  	v7 =	vmul.f32 $3.200000000e+01, v8;
	[tilespmem:s26+$0x4420] =	vst v3;
	v3 =	vadd.f32 v14, v5  }
0xd6: {  	[tilespmem:s26+$0x4430] =	vst v6;
	v4 =	vadd.f32 v10, v4  }
0xd7: {  	s0 =	sadd.s32 s13, s30;
	[tilespmem:s26+$0x4440] =	vst v3;
	v3 =	vadd.f32 v13, v7  }
0xd8: {  	s0 =	sshll.u32 s0, $0x7;
	[tilespmem:s26+$0x4450] =	vst v4  }
0xd9: {  	s7 =	simm.s32 $0x0;
	s8 =	simm.s32 $0x4400;
	s0 =	sadd.s32 s3, s0;
	[tilespmem:s26+$0x4460] =	vst v3  }
0xda: {  	[hbm4b:s0+s7] =	stream.linear.scatter [tilespmem:s8], [sflag:$0x6], $0x4000, $0x38;
	[tilespmem:$0x18400] =	vst v63  }
0xdb: {  	_ =	swait.ge [sflag:s9], $0x4000  }
0xdc: {  	[sflag:s9] =	ssyncset.done $0x0  }
0xdd: {  	[sflag:s9] =	ssyncadd.s32 $0xFFFFC000  }
0xde: {  	_ =	swait.ge [sflag:s17], $0x4000  }
0xdf: {  	[sflag:s17] =	ssyncset.done $0x0  }
0xe0: {  	s26 =	sand.u32 $0x3FFFFFE0, s30;
	[sflag:s17] =	ssyncadd.s32 $0xFFFFC000  }
0xe1: {  	v3 =	vld [tilespmem:s26+$0x10];
	_ =	sdelay $0x4  }
0xe2: {  	v4 =	vshll.u32 v3, $0x3  }
0xe3: {  	v3 =	vand.u32 $0x7, v3;
	v4 =	vand.u32 $0xFFFFFFC0, v4  }
0xe4: {  	v3 =	vor.u32 v3, v4  }
0xe5: {  	v4 =	vperm.xlane v3, v0;
	_ =	sdelay $0x1  }
0xe6: {  	v4 =	vadd.s32 v1, v4;
	_ =	sdelay $0x3  }
0xe7: {  	s8 =	simm.s32 $0x400  }
0xe8: {  	[tilespmem:s8], [sflag:$0x1] =	stream.indirect_vreg.gather [hbm4b:s2+s7], $0x80, v4, vm0, $0xb8;
	[tilespmem:$0x18400] =	vst v63  }
0xe9: {  	s20 =	simm.s32 $0xC00;
	v3 =	vperm.xlane v3, v2  }
0xea: {  	[tilespmem:s20], [sflag:$0x1] =	stream.indirect_vreg.gather [hbm4b:s10+s7], $0x80, v4, vm0, $0xb8;
	[tilespmem:$0x18400] =	vst v63  }
0xeb: {  	s21 =	simm.s32 $0x1400;
	v3 =	vadd.s32 v1, v3  }
0xec: {  	[tilespmem:s21], [sflag:$0x1] =	stream.indirect_vreg.gather [hbm4b:s11+s7], $0x80, v4, vm0, $0xb8;
	[tilespmem:$0x18400] =	vst v63  }
0xed: {  	s22 =	simm.s32 $0x1C00  }
0xee: {  	[tilespmem:s22], [sflag:$0x1] =	stream.indirect_vreg.gather [hbm4b:s12+s7], $0x80, v4, vm0, $0xb8;
	[tilespmem:$0x18400] =	vst v63  }
0xef: {  	s31 =	simm.s32 $0x2400  }
0xf0: {  	[tilespmem:s31], [sflag:$0x1] =	stream.indirect_vreg.gather [hbm4b:s2+s7], $0x80, v3, vm0, $0xb8;
	[tilespmem:$0x18400] =	vst v63  }
0xf1: {  	s8 =	simm.s32 $0x2C00  }
0xf2: {  	[tilespmem:s8], [sflag:$0x1] =	stream.indirect_vreg.gather [hbm4b:s10+s7], $0x80, v3, vm0, $0xb8;
	[tilespmem:$0x18400] =	vst v63  }
0xf3: {  	s20 =	simm.s32 $0x3400  }
0xf4: {  	[tilespmem:s20], [sflag:$0x1] =	stream.indirect_vreg.gather [hbm4b:s11+s7], $0x80, v3, vm0, $0xb8;
	[tilespmem:$0x18400] =	vst v63  }
0xf5: {  	s21 =	simm.s32 $0x3C00;
	s22 =	sand.u32 $0x2000, s7;
	s31 =	sand.u32 $0x1C00, s7  }
0xf6: {  	[tilespmem:s21], [sflag:$0x1] =	stream.indirect_vreg.gather [hbm4b:s12+s7], $0x80, v3, vm0, $0xb8;
	[tilespmem:$0x18400] =	vst v63  }
0xf7: {  	s0 =	sor.u32 s31, s22;
	s7 =	sand.u32 $0x380, s7  }
0xf8: {  	s0 =	sor.u32 s7, s0  }
0xf9: {  	v3 =	vld [tilespmem:s0+$0x8470]  }
0xfa: {  	v4 =	vld [tilespmem:s0+$0x8400]  }
0xfb: {  	v5 =	vld [tilespmem:s0+$0x10470]  }
0xfc: {  	v6 =	vld [tilespmem:s0+$0x8410]  }
0xfd: {  	v7 =	vld [tilespmem:s0+$0x8420]  }
0xfe: {  	v11 =	vld [tilespmem:s0+$0x8430]  }
0xff: {  	v12 =	vld [tilespmem:s0+$0x8440]  }
0x100: {  	v14 =	vld [tilespmem:s0+$0x8450]  }
0x101: {  	v8 =	vld [tilespmem:s0+$0x8460];
	v9 =	vmul.f32 $3.200000000e+01, v3  }
0x102: {  	v10 =	vld [tilespmem:s0+$0x10400]  }
0x103: {  	v13 =	vld [tilespmem:s0+$0x10410];
	v3 =	vmul.f32 $3.200000000e+01, v4;
	v7 =	vmul.f32 $3.200000000e+01, v7;
	v4 =	vadd.f32 v5, v9  }
0x104: {  	s8 =	simm.s32 $0x80;
	v9 =	vmul.f32 $3.200000000e+01, v6;
	v6 =	vmul.f32 $3.200000000e+01, v11;
	v11 =	vld [tilespmem:s0+$0x10420]  }
0x105: {  	s20 =	simm.s32 $0x0;
	s21 =	simm.s32 $0x10;
	s7 =	simm.s32 $0x400;
	v5 =	vmul.f32 $3.200000000e+01, v12;
	v12 =	vld [tilespmem:s0+$0x10430];
	[tilespmem:s0+$0x8470] =	vst v4;
	v4 =	vmul.f32 $3.200000000e+01, v14  }
.LBB2_7:
0x106: {  	s22 =	sand.u32 $0x2000, s8;
	s31 =	sand.u32 $0x1C00, s7;
	s20 =	sadd.s32 $0x8, s20;
	v14 =	vld [tilespmem:s0+$0x10440];
	v8 =	vmul.f32 $3.200000000e+01, v8  }
0x107: {  	s22 =	sor.u32 s31, s22;
	s31 =	sand.u32 $0x380, s21;
	p0 =	slt.u32 s20, $0x3F8;
	v3 =	vadd.f32 v10, v3;
	v10 =	vld [tilespmem:s0+$0x10450]  }
0x108: {  	s22 =	sor.u32 s31, s22;
	v9 =	vadd.f32 v13, v9;
	v13 =	vld [tilespmem:s0+$0x10460]  }
0x109: {  	v15 =	vld [tilespmem:s22+$0x8470];
	[tilespmem:s0+$0x8400] =	vst v3;
	v3 =	vadd.f32 v11, v7  }
0x10a: {  	v7 =	vld [tilespmem:s22+$0x8400];
	[tilespmem:s0+$0x8410] =	vst v9;
	v6 =	vadd.f32 v12, v6  }
0x10b: {  	v9 =	vld [tilespmem:s22+$0x10470];
	[tilespmem:s0+$0x8420] =	vst v3;
	v3 =	vadd.f32 v14, v5  }
0x10c: {  	v5 =	vld [tilespmem:s22+$0x8410];
	[tilespmem:s0+$0x8430] =	vst v6;
	v4 =	vadd.f32 v10, v4  }
0x10d: {  	v6 =	vld [tilespmem:s22+$0x8420];
	[tilespmem:s0+$0x8440] =	vst v3;
	v8 =	vadd.f32 v13, v8  }
0x10e: {  	v11 =	vld [tilespmem:s22+$0x8430];
	v10 =	vmul.f32 $3.200000000e+01, v15;
	[tilespmem:s0+$0x8450] =	vst v4  }
0x10f: {  	v3 =	vmul.f32 $3.200000000e+01, v7;
	v4 =	vld [tilespmem:s22+$0x8440];
	[tilespmem:s0+$0x8460] =	vst v8;
	s0 =	smov.u32 s22  }
0x110: {  	v14 =	vld [tilespmem:s0+$0x8450];
	v12 =	vadd.f32 v9, v10  }
.Ltmp2:
0x111: {  	v9 =	vmul.f32 $3.200000000e+01, v5;
	v8 =	vld [tilespmem:s0+$0x8460];
	(pc) =	sbr.rel @p0 .LBB2_7-.Ltmp2, $4  }
0x112: {  	v10 =	vld [tilespmem:s0+$0x10400];
	v7 =	vmul.f32 $3.200000000e+01, v6;
	[tilespmem:s0+$0x8470] =	vst v12  }
0x113: {  	v13 =	vld [tilespmem:s0+$0x10410];
	v6 =	vmul.f32 $3.200000000e+01, v11  }
0x114: {  	v11 =	vld [tilespmem:s0+$0x10420];
	v5 =	vmul.f32 $3.200000000e+01, v4  }
0x115: {  	s7 =	sadd.s32 $0x400, s7;
	s8 =	sadd.s32 $0x80, s8;
	s21 =	sadd.s32 $0x10, s21;
	v12 =	vld [tilespmem:s0+$0x10430];
	v4 =	vmul.f32 $3.200000000e+01, v14  }
0x116: {  	v14 =	vld [tilespmem:s0+$0x10440]  }
0x117: {  	v3 =	vadd.f32 v10, v3;
	v10 =	vld [tilespmem:s0+$0x10450]  }
0x118: {  	v9 =	vadd.f32 v13, v9;
	v13 =	vld [tilespmem:s0+$0x10460]  }
0x119: {  	[tilespmem:s0+$0x8400] =	vst v3;
	v3 =	vadd.f32 v11, v7  }
0x11a: {  	[tilespmem:s0+$0x8410] =	vst v9;
	v6 =	vadd.f32 v12, v6  }
0x11b: {  	v7 =	vmul.f32 $3.200000000e+01, v8;
	[tilespmem:s0+$0x8420] =	vst v3;
	v3 =	vadd.f32 v14, v5  }
0x11c: {  	[tilespmem:s0+$0x8430] =	vst v6;
	v4 =	vadd.f32 v10, v4  }
0x11d: {  	s7 =	sadd.s32 s14, s30;
	[tilespmem:s0+$0x8440] =	vst v3;
	v3 =	vadd.f32 v13, v7  }
0x11e: {  	s7 =	sshll.u32 s7, $0x7;
	[tilespmem:s0+$0x8450] =	vst v4  }
0x11f: {  	s8 =	sadd.s32 s3, s7;
	s7 =	simm.s32 $0x0;
	[tilespmem:s0+$0x8460] =	vst v3  }
0x120: {  	[hbm4b:s8+s7] =	stream.linear.scatter [tilespmem:s6], [sflag:$0x7], $0x4000, $0x38;
	[tilespmem:$0x18400] =	vst v63  }
0x121: {  	_ =	swait.ge [sflag:s18], $0x4000  }
0x122: {  	[sflag:s18] =	ssyncset.done $0x0  }
0x123: {  	[sflag:s18] =	ssyncadd.s32 $0xFFFFC000  }
0x124: {  	_ =	swait.ge [sflag:s19], $0x4000  }
0x125: {  	[sflag:s19] =	ssyncset.done $0x0  }
0x126: {  	[sflag:s19] =	ssyncadd.s32 $0xFFFFC000  }
0x127: {  	v3 =	vld [tilespmem:s26+$0x110];
	_ =	sdelay $0x4  }
0x128: {  	v4 =	vshll.u32 v3, $0x3  }
0x129: {  	v3 =	vand.u32 $0x7, v3;
	v4 =	vand.u32 $0xFFFFFFC0, v4  }
0x12a: {  	v3 =	vor.u32 v3, v4  }
0x12b: {  	v4 =	vperm.xlane v3, v0;
	_ =	sdelay $0x1  }
0x12c: {  	v4 =	vadd.s32 v1, v4;
	_ =	sdelay $0x3  }
0x12d: {  	s20 =	simm.s32 $0x4400  }
0x12e: {  	[tilespmem:s20], [sflag:$0x2] =	stream.indirect_vreg.gather [hbm4b:s2+s7], $0x80, v4, vm0, $0xb8;
	[tilespmem:$0x18400] =	vst v63  }
0x12f: {  	s21 =	simm.s32 $0x4C00;
	v3 =	vperm.xlane v3, v2  }
0x130: {  	[tilespmem:s21], [sflag:$0x2] =	stream.indirect_vreg.gather [hbm4b:s10+s7], $0x80, v4, vm0, $0xb8;
	[tilespmem:$0x18400] =	vst v63  }
0x131: {  	s22 =	simm.s32 $0x5400;
	v3 =	vadd.s32 v1, v3  }
0x132: {  	[tilespmem:s22], [sflag:$0x2] =	stream.indirect_vreg.gather [hbm4b:s11+s7], $0x80, v4, vm0, $0xb8;
	[tilespmem:$0x18400] =	vst v63  }
0x133: {  	s31 =	simm.s32 $0x5C00  }
0x134: {  	[tilespmem:s31], [sflag:$0x2] =	stream.indirect_vreg.gather [hbm4b:s12+s7], $0x80, v4, vm0, $0xb8;
	[tilespmem:$0x18400] =	vst v63  }
0x135: {  	s8 =	simm.s32 $0x6400  }
0x136: {  	[tilespmem:s8], [sflag:$0x2] =	stream.indirect_vreg.gather [hbm4b:s2+s7], $0x80, v3, vm0, $0xb8;
	[tilespmem:$0x18400] =	vst v63  }
0x137: {  	s20 =	simm.s32 $0x6C00  }
0x138: {  	[tilespmem:s20], [sflag:$0x2] =	stream.indirect_vreg.gather [hbm4b:s10+s7], $0x80, v3, vm0, $0xb8;
	[tilespmem:$0x18400] =	vst v63  }
0x139: {  	s21 =	simm.s32 $0x7400  }
0x13a: {  	[tilespmem:s21], [sflag:$0x2] =	stream.indirect_vreg.gather [hbm4b:s11+s7], $0x80, v3, vm0, $0xb8;
	[tilespmem:$0x18400] =	vst v63  }
0x13b: {  	s22 =	simm.s32 $0x7C00;
	s31 =	sand.u32 $0x2000, s7;
	s8 =	sand.u32 $0x1C00, s7  }
0x13c: {  	[tilespmem:s22], [sflag:$0x2] =	stream.indirect_vreg.gather [hbm4b:s12+s7], $0x80, v3, vm0, $0xb8;
	[tilespmem:$0x18400] =	vst v63  }
0x13d: {  	s0 =	sor.u32 s8, s31;
	s7 =	sand.u32 $0x380, s7  }
0x13e: {  	s0 =	sor.u32 s7, s0  }
0x13f: {  	v3 =	vld [tilespmem:s0+$0xC470]  }
0x140: {  	v4 =	vld [tilespmem:s0+$0xC400]  }
0x141: {  	v5 =	vld [tilespmem:s0+$0x10470]  }
0x142: {  	v6 =	vld [tilespmem:s0+$0xC410]  }
0x143: {  	v7 =	vld [tilespmem:s0+$0xC420]  }
0x144: {  	v11 =	vld [tilespmem:s0+$0xC430]  }
0x145: {  	v12 =	vld [tilespmem:s0+$0xC440]  }
0x146: {  	v14 =	vld [tilespmem:s0+$0xC450]  }
0x147: {  	v8 =	vld [tilespmem:s0+$0xC460];
	v9 =	vmul.f32 $3.200000000e+01, v3  }
0x148: {  	v10 =	vld [tilespmem:s0+$0x10400]  }
0x149: {  	v13 =	vld [tilespmem:s0+$0x10410];
	v3 =	vmul.f32 $3.200000000e+01, v4;
	v7 =	vmul.f32 $3.200000000e+01, v7;
	v4 =	vadd.f32 v5, v9  }
0x14a: {  	s8 =	simm.s32 $0x80;
	v9 =	vmul.f32 $3.200000000e+01, v6;
	v6 =	vmul.f32 $3.200000000e+01, v11;
	v11 =	vld [tilespmem:s0+$0x10420]  }
0x14b: {  	s20 =	simm.s32 $0x0;
	s21 =	simm.s32 $0x10;
	s7 =	simm.s32 $0x400;
	v5 =	vmul.f32 $3.200000000e+01, v12;
	v12 =	vld [tilespmem:s0+$0x10430];
	[tilespmem:s0+$0xC470] =	vst v4;
	v4 =	vmul.f32 $3.200000000e+01, v14  }
.LBB2_9:
0x14c: {  	s22 =	sand.u32 $0x2000, s8;
	s31 =	sand.u32 $0x1C00, s7;
	s20 =	sadd.s32 $0x8, s20;
	v14 =	vld [tilespmem:s0+$0x10440];
	v8 =	vmul.f32 $3.200000000e+01, v8  }
0x14d: {  	s22 =	sor.u32 s31, s22;
	s31 =	sand.u32 $0x380, s21;
	p0 =	slt.u32 s20, $0x3F8;
	v3 =	vadd.f32 v10, v3;
	v10 =	vld [tilespmem:s0+$0x10450]  }
0x14e: {  	s22 =	sor.u32 s31, s22;
	v9 =	vadd.f32 v13, v9;
	v13 =	vld [tilespmem:s0+$0x10460]  }
0x14f: {  	v15 =	vld [tilespmem:s22+$0xC470];
	[tilespmem:s0+$0xC400] =	vst v3;
	v3 =	vadd.f32 v11, v7  }
0x150: {  	v7 =	vld [tilespmem:s22+$0xC400];
	[tilespmem:s0+$0xC410] =	vst v9;
	v6 =	vadd.f32 v12, v6  }
0x151: {  	v9 =	vld [tilespmem:s22+$0x10470];
	[tilespmem:s0+$0xC420] =	vst v3;
	v3 =	vadd.f32 v14, v5  }
0x152: {  	v5 =	vld [tilespmem:s22+$0xC410];
	[tilespmem:s0+$0xC430] =	vst v6;
	v4 =	vadd.f32 v10, v4  }
0x153: {  	v6 =	vld [tilespmem:s22+$0xC420];
	[tilespmem:s0+$0xC440] =	vst v3;
	v8 =	vadd.f32 v13, v8  }
0x154: {  	v11 =	vld [tilespmem:s22+$0xC430];
	v10 =	vmul.f32 $3.200000000e+01, v15;
	[tilespmem:s0+$0xC450] =	vst v4  }
0x155: {  	v3 =	vmul.f32 $3.200000000e+01, v7;
	v4 =	vld [tilespmem:s22+$0xC440];
	[tilespmem:s0+$0xC460] =	vst v8;
	s0 =	smov.u32 s22  }
0x156: {  	v14 =	vld [tilespmem:s0+$0xC450];
	v12 =	vadd.f32 v9, v10  }
.Ltmp3:
0x157: {  	v9 =	vmul.f32 $3.200000000e+01, v5;
	v8 =	vld [tilespmem:s0+$0xC460];
	(pc) =	sbr.rel @p0 .LBB2_9-.Ltmp3, $4  }
0x158: {  	v10 =	vld [tilespmem:s0+$0x10400];
	v7 =	vmul.f32 $3.200000000e+01, v6;
	[tilespmem:s0+$0xC470] =	vst v12  }
0x159: {  	v13 =	vld [tilespmem:s0+$0x10410];
	v6 =	vmul.f32 $3.200000000e+01, v11  }
0x15a: {  	v11 =	vld [tilespmem:s0+$0x10420];
	v5 =	vmul.f32 $3.200000000e+01, v4  }
0x15b: {  	s7 =	sadd.s32 $0x400, s7;
	s8 =	sadd.s32 $0x80, s8;
	s21 =	sadd.s32 $0x10, s21;
	v12 =	vld [tilespmem:s0+$0x10430];
	v4 =	vmul.f32 $3.200000000e+01, v14  }
0x15c: {  	v14 =	vld [tilespmem:s0+$0x10440]  }
0x15d: {  	v3 =	vadd.f32 v10, v3;
	v10 =	vld [tilespmem:s0+$0x10450]  }
0x15e: {  	v9 =	vadd.f32 v13, v9;
	v13 =	vld [tilespmem:s0+$0x10460]  }
0x15f: {  	[tilespmem:s0+$0xC400] =	vst v3;
	v3 =	vadd.f32 v11, v7  }
0x160: {  	[tilespmem:s0+$0xC410] =	vst v9;
	v6 =	vadd.f32 v12, v6  }
0x161: {  	v7 =	vmul.f32 $3.200000000e+01, v8;
	[tilespmem:s0+$0xC420] =	vst v3;
	v3 =	vadd.f32 v14, v5  }
0x162: {  	[tilespmem:s0+$0xC430] =	vst v6;
	v4 =	vadd.f32 v10, v4  }
0x163: {  	s7 =	sadd.s32 s15, s30;
	[tilespmem:s0+$0xC440] =	vst v3;
	v3 =	vadd.f32 v13, v7  }
0x164: {  	s7 =	sshll.u32 s7, $0x7;
	[tilespmem:s0+$0xC450] =	vst v4  }
0x165: {  	s20 =	sadd.s32 s3, s7;
	s7 =	simm.s32 $0x0;
	[tilespmem:s0+$0xC460] =	vst v3  }
0x166: {  	[hbm4b:s20+s7] =	stream.linear.scatter [tilespmem:s29], [sflag:$0x8], $0x4000, $0x38;
	[tilespmem:$0x18400] =	vst v63  }
0x167: {  	_ =	swait.ge [sflag:s16], $0x4000  }
0x168: {  	[sflag:s16] =	ssyncset.done $0x0  }
0x169: {  	[sflag:s16] =	ssyncadd.s32 $0xFFFFC000  }
0x16a: {  	_ =	swait.ge [sflag:s23], $0x4000  }
0x16b: {  	s1 =	sor.u32 $0x1, s1;
	[sflag:s23] =	ssyncset.done $0x0  }
0x16c: {  	s30 =	sshll.u32 s1, $0x4;
	[sflag:s23] =	ssyncadd.s32 $0xFFFFC000  }
0x16d: {  	v3 =	vld [tilespmem:s30+$0x200];
	_ =	sdelay $0x4  }
0x16e: {  	v4 =	vshll.u32 v3, $0x3  }
0x16f: {  	v3 =	vand.u32 $0x7, v3;
	v4 =	vand.u32 $0xFFFFFFC0, v4  }
0x170: {  	v3 =	vor.u32 v3, v4  }
0x171: {  	v4 =	vperm.xlane v3, v0;
	_ =	sdelay $0x1  }
0x172: {  	v4 =	vadd.s32 v1, v4;
	_ =	sdelay $0x4  }
0x173: {  	[tilespmem:s6], [sflag:$0x3] =	stream.indirect_vreg.gather [hbm4b:s2+s7], $0x80, v4, vm0, $0xb8;
	[tilespmem:$0x18400] =	vst v63  }
0x174: {  	s21 =	simm.s32 $0x8C00;
	v3 =	vperm.xlane v3, v2  }
0x175: {  	[tilespmem:s21], [sflag:$0x3] =	stream.indirect_vreg.gather [hbm4b:s10+s7], $0x80, v4, vm0, $0xb8;
	[tilespmem:$0x18400] =	vst v63  }
0x176: {  	s22 =	simm.s32 $0x9400;
	v3 =	vadd.s32 v1, v3  }
0x177: {  	[tilespmem:s22], [sflag:$0x3] =	stream.indirect_vreg.gather [hbm4b:s11+s7], $0x80, v4, vm0, $0xb8;
	[tilespmem:$0x18400] =	vst v63  }
0x178: {  	s31 =	simm.s32 $0x9C00  }
0x179: {  	[tilespmem:s31], [sflag:$0x3] =	stream.indirect_vreg.gather [hbm4b:s12+s7], $0x80, v4, vm0, $0xb8;
	[tilespmem:$0x18400] =	vst v63  }
0x17a: {  	s8 =	simm.s32 $0xA400  }
0x17b: {  	[tilespmem:s8], [sflag:$0x3] =	stream.indirect_vreg.gather [hbm4b:s2+s7], $0x80, v3, vm0, $0xb8;
	[tilespmem:$0x18400] =	vst v63  }
0x17c: {  	s20 =	simm.s32 $0xAC00  }
0x17d: {  	[tilespmem:s20], [sflag:$0x3] =	stream.indirect_vreg.gather [hbm4b:s10+s7], $0x80, v3, vm0, $0xb8;
	[tilespmem:$0x18400] =	vst v63  }
0x17e: {  	s21 =	simm.s32 $0xB400  }
0x17f: {  	[tilespmem:s21], [sflag:$0x3] =	stream.indirect_vreg.gather [hbm4b:s11+s7], $0x80, v3, vm0, $0xb8;
	[tilespmem:$0x18400] =	vst v63  }
0x180: {  	s22 =	simm.s32 $0xBC00;
	s31 =	sand.u32 $0x2000, s7;
	s8 =	sand.u32 $0x1C00, s7  }
0x181: {  	[tilespmem:s22], [sflag:$0x3] =	stream.indirect_vreg.gather [hbm4b:s12+s7], $0x80, v3, vm0, $0xb8;
	[tilespmem:$0x18400] =	vst v63  }
0x182: {  	s0 =	sor.u32 s8, s31;
	s7 =	sand.u32 $0x380, s7  }
0x183: {  	s0 =	sor.u32 s7, s0  }
0x184: {  	v3 =	vld [tilespmem:s0+$0x470]  }
0x185: {  	v4 =	vld [tilespmem:s0+$0x400]  }
0x186: {  	v5 =	vld [tilespmem:s0+$0x14470]  }
0x187: {  	v6 =	vld [tilespmem:s0+$0x410]  }
0x188: {  	v7 =	vld [tilespmem:s0+$0x420]  }
0x189: {  	v11 =	vld [tilespmem:s0+$0x430]  }
0x18a: {  	v12 =	vld [tilespmem:s0+$0x440]  }
0x18b: {  	v14 =	vld [tilespmem:s0+$0x450]  }
0x18c: {  	v8 =	vld [tilespmem:s0+$0x460];
	v9 =	vmul.f32 $3.200000000e+01, v3  }
0x18d: {  	v10 =	vld [tilespmem:s0+$0x14400]  }
0x18e: {  	v13 =	vld [tilespmem:s0+$0x14410];
	v3 =	vmul.f32 $3.200000000e+01, v4;
	v7 =	vmul.f32 $3.200000000e+01, v7;
	v4 =	vadd.f32 v5, v9  }
0x18f: {  	s8 =	simm.s32 $0x80;
	v9 =	vmul.f32 $3.200000000e+01, v6;
	v6 =	vmul.f32 $3.200000000e+01, v11;
	v11 =	vld [tilespmem:s0+$0x14420]  }
0x190: {  	s20 =	simm.s32 $0x0;
	s21 =	simm.s32 $0x10;
	s7 =	simm.s32 $0x400;
	v5 =	vmul.f32 $3.200000000e+01, v12;
	v12 =	vld [tilespmem:s0+$0x14430];
	[tilespmem:s0+$0x470] =	vst v4;
	v4 =	vmul.f32 $3.200000000e+01, v14  }
.LBB2_11:
0x191: {  	s22 =	sand.u32 $0x2000, s8;
	s31 =	sand.u32 $0x1C00, s7;
	s20 =	sadd.s32 $0x8, s20;
	v14 =	vld [tilespmem:s0+$0x14440];
	v8 =	vmul.f32 $3.200000000e+01, v8  }
0x192: {  	s22 =	sor.u32 s31, s22;
	s31 =	sand.u32 $0x380, s21;
	p0 =	slt.u32 s20, $0x3F8;
	v3 =	vadd.f32 v10, v3;
	v10 =	vld [tilespmem:s0+$0x14450]  }
0x193: {  	s22 =	sor.u32 s31, s22;
	v9 =	vadd.f32 v13, v9;
	v13 =	vld [tilespmem:s0+$0x14460]  }
0x194: {  	v15 =	vld [tilespmem:s22+$0x470];
	[tilespmem:s0+$0x400] =	vst v3;
	v3 =	vadd.f32 v11, v7  }
0x195: {  	v7 =	vld [tilespmem:s22+$0x400];
	[tilespmem:s0+$0x410] =	vst v9;
	v6 =	vadd.f32 v12, v6  }
0x196: {  	v9 =	vld [tilespmem:s22+$0x14470];
	[tilespmem:s0+$0x420] =	vst v3;
	v3 =	vadd.f32 v14, v5  }
0x197: {  	v5 =	vld [tilespmem:s22+$0x410];
	[tilespmem:s0+$0x430] =	vst v6;
	v4 =	vadd.f32 v10, v4  }
0x198: {  	v6 =	vld [tilespmem:s22+$0x420];
	[tilespmem:s0+$0x440] =	vst v3;
	v8 =	vadd.f32 v13, v8  }
0x199: {  	v11 =	vld [tilespmem:s22+$0x430];
	v10 =	vmul.f32 $3.200000000e+01, v15;
	[tilespmem:s0+$0x450] =	vst v4  }
0x19a: {  	v3 =	vmul.f32 $3.200000000e+01, v7;
	v4 =	vld [tilespmem:s22+$0x440];
	[tilespmem:s0+$0x460] =	vst v8;
	s0 =	smov.u32 s22  }
0x19b: {  	v14 =	vld [tilespmem:s0+$0x450];
	v12 =	vadd.f32 v9, v10  }
.Ltmp4:
0x19c: {  	v9 =	vmul.f32 $3.200000000e+01, v5;
	v8 =	vld [tilespmem:s0+$0x460];
	(pc) =	sbr.rel @p0 .LBB2_11-.Ltmp4, $4  }
0x19d: {  	v10 =	vld [tilespmem:s0+$0x14400];
	v7 =	vmul.f32 $3.200000000e+01, v6;
	[tilespmem:s0+$0x470] =	vst v12  }
0x19e: {  	v13 =	vld [tilespmem:s0+$0x14410];
	v6 =	vmul.f32 $3.200000000e+01, v11  }
0x19f: {  	v11 =	vld [tilespmem:s0+$0x14420];
	v5 =	vmul.f32 $3.200000000e+01, v4  }
0x1a0: {  	s7 =	sadd.s32 $0x400, s7;
	s8 =	sadd.s32 $0x80, s8;
	s21 =	sadd.s32 $0x10, s21;
	v12 =	vld [tilespmem:s0+$0x14430];
	v4 =	vmul.f32 $3.200000000e+01, v14  }
0x1a1: {  	v14 =	vld [tilespmem:s0+$0x14440]  }
0x1a2: {  	v3 =	vadd.f32 v10, v3;
	v10 =	vld [tilespmem:s0+$0x14450]  }
0x1a3: {  	v9 =	vadd.f32 v13, v9;
	v13 =	vld [tilespmem:s0+$0x14460]  }
0x1a4: {  	[tilespmem:s0+$0x400] =	vst v3;
	v3 =	vadd.f32 v11, v7  }
0x1a5: {  	[tilespmem:s0+$0x410] =	vst v9;
	v6 =	vadd.f32 v12, v6  }
0x1a6: {  	v7 =	vmul.f32 $3.200000000e+01, v8;
	[tilespmem:s0+$0x420] =	vst v3;
	v3 =	vadd.f32 v14, v5  }
0x1a7: {  	[tilespmem:s0+$0x430] =	vst v6;
	v4 =	vadd.f32 v10, v4  }
0x1a8: {  	s7 =	sadd.s32 s5, s30;
	[tilespmem:s0+$0x440] =	vst v3;
	v3 =	vadd.f32 v13, v7  }
0x1a9: {  	s7 =	sshll.u32 s7, $0x7;
	[tilespmem:s0+$0x450] =	vst v4  }
0x1aa: {  	s8 =	simm.s32 $0x400;
	s31 =	sadd.s32 s3, s7;
	s7 =	simm.s32 $0x0;
	[tilespmem:s0+$0x460] =	vst v3  }
0x1ab: {  	[hbm4b:s31+s7] =	stream.linear.scatter [tilespmem:s8], [sflag:$0x5], $0x4000, $0x38;
	[tilespmem:$0x18400] =	vst v63  }
0x1ac: {  	_ =	swait.ge [sflag:s28], $0x4000  }
0x1ad: {  	[sflag:s28] =	ssyncset.done $0x0  }
0x1ae: {  	[sflag:s28] =	ssyncadd.s32 $0xFFFFC000  }
0x1af: {  	_ =	swait.ge [sflag:s24], $0x4000  }
0x1b0: {  	[sflag:s24] =	ssyncset.done $0x0  }
0x1b1: {  	[sflag:s24] =	ssyncadd.s32 $0xFFFFC000  }
0x1b2: {  	v3 =	vld [tilespmem:s30+$0x300];
	_ =	sdelay $0x4  }
0x1b3: {  	v4 =	vshll.u32 v3, $0x3  }
0x1b4: {  	v3 =	vand.u32 $0x7, v3;
	v4 =	vand.u32 $0xFFFFFFC0, v4  }
0x1b5: {  	v3 =	vor.u32 v3, v4  }
0x1b6: {  	v4 =	vperm.xlane v3, v0;
	_ =	sdelay $0x1  }
0x1b7: {  	v4 =	vadd.s32 v1, v4;
	_ =	sdelay $0x4  }
0x1b8: {  	[tilespmem:s29], [sflag:$0x4] =	stream.indirect_vreg.gather [hbm4b:s2+s7], $0x80, v4, vm0, $0xb8;
	[tilespmem:$0x18400] =	vst v63  }
0x1b9: {  	s20 =	simm.s32 $0xCC00;
	v3 =	vperm.xlane v3, v2  }
0x1ba: {  	[tilespmem:s20], [sflag:$0x4] =	stream.indirect_vreg.gather [hbm4b:s10+s7], $0x80, v4, vm0, $0xb8;
	[tilespmem:$0x18400] =	vst v63  }
0x1bb: {  	s21 =	simm.s32 $0xD400;
	v3 =	vadd.s32 v1, v3  }
0x1bc: {  	[tilespmem:s21], [sflag:$0x4] =	stream.indirect_vreg.gather [hbm4b:s11+s7], $0x80, v4, vm0, $0xb8;
	[tilespmem:$0x18400] =	vst v63  }
0x1bd: {  	s22 =	simm.s32 $0xDC00  }
0x1be: {  	[tilespmem:s22], [sflag:$0x4] =	stream.indirect_vreg.gather [hbm4b:s12+s7], $0x80, v4, vm0, $0xb8;
	[tilespmem:$0x18400] =	vst v63  }
0x1bf: {  	s31 =	simm.s32 $0xE400  }
0x1c0: {  	[tilespmem:s31], [sflag:$0x4] =	stream.indirect_vreg.gather [hbm4b:s2+s7], $0x80, v3, vm0, $0xb8;
	[tilespmem:$0x18400] =	vst v63  }
0x1c1: {  	s8 =	simm.s32 $0xEC00  }
0x1c2: {  	[tilespmem:s8], [sflag:$0x4] =	stream.indirect_vreg.gather [hbm4b:s10+s7], $0x80, v3, vm0, $0xb8;
	[tilespmem:$0x18400] =	vst v63  }
0x1c3: {  	s20 =	simm.s32 $0xF400  }
0x1c4: {  	[tilespmem:s20], [sflag:$0x4] =	stream.indirect_vreg.gather [hbm4b:s11+s7], $0x80, v3, vm0, $0xb8;
	[tilespmem:$0x18400] =	vst v63  }
0x1c5: {  	s21 =	simm.s32 $0xFC00;
	s22 =	sand.u32 $0x2000, s7;
	s31 =	sand.u32 $0x1C00, s7  }
0x1c6: {  	[tilespmem:s21], [sflag:$0x4] =	stream.indirect_vreg.gather [hbm4b:s12+s7], $0x80, v3, vm0, $0xb8;
	[tilespmem:$0x18400] =	vst v63  }
0x1c7: {  	s0 =	sor.u32 s31, s22;
	s7 =	sand.u32 $0x380, s7  }
0x1c8: {  	s0 =	sor.u32 s7, s0  }
0x1c9: {  	v3 =	vld [tilespmem:s0+$0x4470]  }
0x1ca: {  	v4 =	vld [tilespmem:s0+$0x4400]  }
0x1cb: {  	v5 =	vld [tilespmem:s0+$0x14470]  }
0x1cc: {  	v6 =	vld [tilespmem:s0+$0x4410]  }
0x1cd: {  	v7 =	vld [tilespmem:s0+$0x4420]  }
0x1ce: {  	v11 =	vld [tilespmem:s0+$0x4430]  }
0x1cf: {  	v12 =	vld [tilespmem:s0+$0x4440]  }
0x1d0: {  	v14 =	vld [tilespmem:s0+$0x4450]  }
0x1d1: {  	v8 =	vld [tilespmem:s0+$0x4460];
	v9 =	vmul.f32 $3.200000000e+01, v3  }
0x1d2: {  	v10 =	vld [tilespmem:s0+$0x14400]  }
0x1d3: {  	v13 =	vld [tilespmem:s0+$0x14410];
	v3 =	vmul.f32 $3.200000000e+01, v4;
	v7 =	vmul.f32 $3.200000000e+01, v7;
	v4 =	vadd.f32 v5, v9  }
0x1d4: {  	s8 =	simm.s32 $0x80;
	v9 =	vmul.f32 $3.200000000e+01, v6;
	v6 =	vmul.f32 $3.200000000e+01, v11;
	v11 =	vld [tilespmem:s0+$0x14420]  }
0x1d5: {  	s20 =	simm.s32 $0x0;
	s21 =	simm.s32 $0x10;
	s7 =	simm.s32 $0x400;
	v5 =	vmul.f32 $3.200000000e+01, v12;
	v12 =	vld [tilespmem:s0+$0x14430];
	[tilespmem:s0+$0x4470] =	vst v4;
	v4 =	vmul.f32 $3.200000000e+01, v14  }
.LBB2_13:
0x1d6: {  	s22 =	sand.u32 $0x2000, s8;
	s31 =	sand.u32 $0x1C00, s7;
	s20 =	sadd.s32 $0x8, s20;
	v14 =	vld [tilespmem:s0+$0x14440];
	v8 =	vmul.f32 $3.200000000e+01, v8  }
0x1d7: {  	s22 =	sor.u32 s31, s22;
	s31 =	sand.u32 $0x380, s21;
	p0 =	slt.u32 s20, $0x3F8;
	v3 =	vadd.f32 v10, v3;
	v10 =	vld [tilespmem:s0+$0x14450]  }
0x1d8: {  	s22 =	sor.u32 s31, s22;
	v9 =	vadd.f32 v13, v9;
	v13 =	vld [tilespmem:s0+$0x14460]  }
0x1d9: {  	v15 =	vld [tilespmem:s22+$0x4470];
	[tilespmem:s0+$0x4400] =	vst v3;
	v3 =	vadd.f32 v11, v7  }
0x1da: {  	v7 =	vld [tilespmem:s22+$0x4400];
	[tilespmem:s0+$0x4410] =	vst v9;
	v6 =	vadd.f32 v12, v6  }
0x1db: {  	v9 =	vld [tilespmem:s22+$0x14470];
	[tilespmem:s0+$0x4420] =	vst v3;
	v3 =	vadd.f32 v14, v5  }
0x1dc: {  	v5 =	vld [tilespmem:s22+$0x4410];
	[tilespmem:s0+$0x4430] =	vst v6;
	v4 =	vadd.f32 v10, v4  }
0x1dd: {  	v6 =	vld [tilespmem:s22+$0x4420];
	[tilespmem:s0+$0x4440] =	vst v3;
	v8 =	vadd.f32 v13, v8  }
0x1de: {  	v11 =	vld [tilespmem:s22+$0x4430];
	v10 =	vmul.f32 $3.200000000e+01, v15;
	[tilespmem:s0+$0x4450] =	vst v4  }
0x1df: {  	v3 =	vmul.f32 $3.200000000e+01, v7;
	v4 =	vld [tilespmem:s22+$0x4440];
	[tilespmem:s0+$0x4460] =	vst v8;
	s0 =	smov.u32 s22  }
0x1e0: {  	v14 =	vld [tilespmem:s0+$0x4450];
	v12 =	vadd.f32 v9, v10  }
.Ltmp5:
0x1e1: {  	v9 =	vmul.f32 $3.200000000e+01, v5;
	v8 =	vld [tilespmem:s0+$0x4460];
	(pc) =	sbr.rel @p0 .LBB2_13-.Ltmp5, $4  }
0x1e2: {  	v10 =	vld [tilespmem:s0+$0x14400];
	v7 =	vmul.f32 $3.200000000e+01, v6;
	[tilespmem:s0+$0x4470] =	vst v12  }
0x1e3: {  	v13 =	vld [tilespmem:s0+$0x14410];
	v6 =	vmul.f32 $3.200000000e+01, v11  }
0x1e4: {  	v11 =	vld [tilespmem:s0+$0x14420];
	v5 =	vmul.f32 $3.200000000e+01, v4  }
0x1e5: {  	s7 =	sadd.s32 $0x400, s7;
	s8 =	sadd.s32 $0x80, s8;
	s21 =	sadd.s32 $0x10, s21;
	v12 =	vld [tilespmem:s0+$0x14430];
	v4 =	vmul.f32 $3.200000000e+01, v14  }
0x1e6: {  	v14 =	vld [tilespmem:s0+$0x14440]  }
0x1e7: {  	v3 =	vadd.f32 v10, v3;
	v10 =	vld [tilespmem:s0+$0x14450]  }
0x1e8: {  	v9 =	vadd.f32 v13, v9;
	v13 =	vld [tilespmem:s0+$0x14460]  }
0x1e9: {  	[tilespmem:s0+$0x4400] =	vst v3;
	v3 =	vadd.f32 v11, v7  }
0x1ea: {  	[tilespmem:s0+$0x4410] =	vst v9;
	v6 =	vadd.f32 v12, v6  }
0x1eb: {  	v7 =	vmul.f32 $3.200000000e+01, v8;
	[tilespmem:s0+$0x4420] =	vst v3;
	v3 =	vadd.f32 v14, v5  }
0x1ec: {  	[tilespmem:s0+$0x4430] =	vst v6;
	v4 =	vadd.f32 v10, v4  }
0x1ed: {  	s7 =	sadd.s32 s13, s30;
	[tilespmem:s0+$0x4440] =	vst v3;
	v3 =	vadd.f32 v13, v7  }
0x1ee: {  	s7 =	sshll.u32 s7, $0x7;
	[tilespmem:s0+$0x4450] =	vst v4  }
0x1ef: {  	s20 =	simm.s32 $0x4400;
	s8 =	sadd.s32 s3, s7;
	[tilespmem:s0+$0x4460] =	vst v3  }
0x1f0: {  	[hbm4b:s8+s4] =	stream.linear.scatter [tilespmem:s20], [sflag:$0x6], $0x4000, $0x38;
	[tilespmem:$0x18400] =	vst v63  }
0x1f1: {  	_ =	swait.ge [sflag:s9], $0x4000  }
0x1f2: {  	[sflag:s9] =	ssyncset.done $0x0  }
0x1f3: {  	[sflag:s9] =	ssyncadd.s32 $0xFFFFC000  }
0x1f4: {  	_ =	swait.ge [sflag:s17], $0x4000  }
0x1f5: {  	[sflag:s17] =	ssyncset.done $0x0  }
0x1f6: {  	p0 =	sgt.u32 s1, $0xE;
	[sflag:s17] =	ssyncadd.s32 $0xFFFFC000  }
0x1f7: {  	v3 =	vld @!p0 [tilespmem:s26+$0x20];
	_ =	sdelay $0x4  }
0x1f8: {  	v4 =	vshll.u32 @!p0 v3, $0x3  }
0x1f9: {  	v5 =	vlaneseq.u32 @!p0;
	v3 =	vand.u32 @!p0 $0x7, v3;
	v4 =	vand.u32 @!p0 $0xFFFFFFC0, v4  }
0x1fa: {  	v6 =	vshrl.u32 @!p0 v5, $0x3;
	v3 =	vor.u32 @!p0 v3, v4;
	v4 =	vand.u32 @!p0 $0x7, v5  }
0x1fb: {  	v6 =	vmul.u32 @!p0 $0x8, v6;
	v4 =	vperm.xlane @!p0 v3, v4;
	_ =	sdelay $0x1  }
0x1fc: {  	v4 =	vadd.s32 @!p0 v6, v4;
	_ =	sdelay $0x3  }
0x1fd: {  	vm1 =	vmmov @!p0 $0xffff;
	s1 =	simm.s32 @!p0 $0x400;
	s0 =	simm.s32 @!p0 $0x0  }
0x1fe: {  	v5 =	vor.u32 @!p0 $0x8, v5;
	[tilespmem:s1], [sflag:$0x1] =	stream.indirect_vreg.gather @!p0 [hbm4b:s2+s0], $0x80, v4, vm1, $0xb8;
	[tilespmem:$0x18400] =	vst v63  }
0x1ff: {  	v3 =	vperm.xlane @!p0 v3, v5;
	s1 =	simm.s32 @!p0 $0xC00  }
0x200: {  	[tilespmem:s1], [sflag:$0x1] =	stream.indirect_vreg.gather @!p0 [hbm4b:s10+s0], $0x80, v4, vm1, $0xb8;
	[tilespmem:$0x18400] =	vst v63  }
0x201: {  	v3 =	vadd.s32 @!p0 v6, v3;
	s1 =	simm.s32 @!p0 $0x1400  }
0x202: {  	[tilespmem:s1], [sflag:$0x1] =	stream.indirect_vreg.gather @!p0 [hbm4b:s11+s0], $0x80, v4, vm1, $0xb8;
	[tilespmem:$0x18400] =	vst v63  }
0x203: {  	s1 =	simm.s32 @!p0 $0x1C00  }
0x204: {  	[tilespmem:s1], [sflag:$0x1] =	stream.indirect_vreg.gather @!p0 [hbm4b:s12+s0], $0x80, v4, vm1, $0xb8;
	[tilespmem:$0x18400] =	vst v63  }
0x205: {  	s1 =	simm.s32 @!p0 $0x2400  }
0x206: {  	[tilespmem:s1], [sflag:$0x1] =	stream.indirect_vreg.gather @!p0 [hbm4b:s2+s0], $0x80, v3, vm1, $0xb8;
	[tilespmem:$0x18400] =	vst v63  }
0x207: {  	s1 =	simm.s32 @!p0 $0x2C00  }
0x208: {  	[tilespmem:s1], [sflag:$0x1] =	stream.indirect_vreg.gather @!p0 [hbm4b:s10+s0], $0x80, v3, vm1, $0xb8;
	[tilespmem:$0x18400] =	vst v63  }
0x209: {  	s21 =	simm.s32 $0x0;
	s1 =	simm.s32 @!p0 $0x3400  }
0x20a: {  	[tilespmem:s1], [sflag:$0x1] =	stream.indirect_vreg.gather @!p0 [hbm4b:s11+s0], $0x80, v3, vm1, $0xb8;
	[tilespmem:$0x18400] =	vst v63  }
0x20b: {  	s22 =	sand.u32 $0x2000, s21;
	s31 =	sand.u32 $0x1C00, s21;
	s1 =	simm.s32 @!p0 $0x3C00  }
0x20c: {  	[tilespmem:s1], [sflag:$0x1] =	stream.indirect_vreg.gather @!p0 [hbm4b:s12+s0], $0x80, v3, vm1, $0xb8;
	[tilespmem:$0x18400] =	vst v63  }
0x20d: {  	s1 =	sor.u32 s31, s22;
	s0 =	sand.u32 $0x380, s21  }
0x20e: {  	s0 =	sor.u32 s0, s1  }
0x20f: {  	v3 =	vld [tilespmem:s0+$0x8470]  }
0x210: {  	v4 =	vld [tilespmem:s0+$0x8400]  }
0x211: {  	v5 =	vld [tilespmem:s0+$0x14470]  }
0x212: {  	v6 =	vld [tilespmem:s0+$0x8410]  }
0x213: {  	v7 =	vld [tilespmem:s0+$0x8420]  }
0x214: {  	v11 =	vld [tilespmem:s0+$0x8430]  }
0x215: {  	v12 =	vld [tilespmem:s0+$0x8440]  }
0x216: {  	v14 =	vld [tilespmem:s0+$0x8450]  }
0x217: {  	v8 =	vld [tilespmem:s0+$0x8460];
	v9 =	vmul.f32 $3.200000000e+01, v3  }
0x218: {  	v10 =	vld [tilespmem:s0+$0x14400]  }
0x219: {  	v13 =	vld [tilespmem:s0+$0x14410];
	v3 =	vmul.f32 $3.200000000e+01, v4;
	v7 =	vmul.f32 $3.200000000e+01, v7;
	v4 =	vadd.f32 v5, v9  }
0x21a: {  	s7 =	simm.s32 $0x400;
	v9 =	vmul.f32 $3.200000000e+01, v6;
	v6 =	vmul.f32 $3.200000000e+01, v11;
	v11 =	vld [tilespmem:s0+$0x14420]  }
0x21b: {  	s20 =	simm.s32 $0x10;
	s8 =	simm.s32 $0x80;
	s1 =	simm.s32 $0x0;
	v5 =	vmul.f32 $3.200000000e+01, v12;
	v12 =	vld [tilespmem:s0+$0x14430];
	[tilespmem:s0+$0x8470] =	vst v4;
	v4 =	vmul.f32 $3.200000000e+01, v14  }
.LBB2_15:
0x21c: {  	s21 =	sand.u32 $0x2000, s8;
	s22 =	sand.u32 $0x1C00, s7;
	s1 =	sadd.s32 $0x8, s1;
	v14 =	vld [tilespmem:s0+$0x14440];
	v8 =	vmul.f32 $3.200000000e+01, v8  }
0x21d: {  	s21 =	sor.u32 s22, s21;
	s22 =	sand.u32 $0x380, s20;
	p1 =	slt.u32 s1, $0x3F8;
	v3 =	vadd.f32 v10, v3;
	v10 =	vld [tilespmem:s0+$0x14450]  }
0x21e: {  	s21 =	sor.u32 s22, s21;
	v9 =	vadd.f32 v13, v9;
	v13 =	vld [tilespmem:s0+$0x14460]  }
0x21f: {  	v15 =	vld [tilespmem:s21+$0x8470];
	[tilespmem:s0+$0x8400] =	vst v3;
	v3 =	vadd.f32 v11, v7  }
0x220: {  	v7 =	vld [tilespmem:s21+$0x8400];
	[tilespmem:s0+$0x8410] =	vst v9;
	v6 =	vadd.f32 v12, v6  }
0x221: {  	v9 =	vld [tilespmem:s21+$0x14470];
	[tilespmem:s0+$0x8420] =	vst v3;
	v3 =	vadd.f32 v14, v5  }
0x222: {  	v5 =	vld [tilespmem:s21+$0x8410];
	[tilespmem:s0+$0x8430] =	vst v6;
	v4 =	vadd.f32 v10, v4  }
0x223: {  	v6 =	vld [tilespmem:s21+$0x8420];
	[tilespmem:s0+$0x8440] =	vst v3;
	v8 =	vadd.f32 v13, v8  }
0x224: {  	v11 =	vld [tilespmem:s21+$0x8430];
	v10 =	vmul.f32 $3.200000000e+01, v15;
	[tilespmem:s0+$0x8450] =	vst v4  }
0x225: {  	v3 =	vmul.f32 $3.200000000e+01, v7;
	v4 =	vld [tilespmem:s21+$0x8440];
	[tilespmem:s0+$0x8460] =	vst v8;
	s0 =	smov.u32 s21  }
0x226: {  	v14 =	vld [tilespmem:s0+$0x8450];
	v12 =	vadd.f32 v9, v10  }
.Ltmp6:
0x227: {  	v9 =	vmul.f32 $3.200000000e+01, v5;
	v8 =	vld [tilespmem:s0+$0x8460];
	(pc) =	sbr.rel @p1 .LBB2_15-.Ltmp6, $4  }
0x228: {  	v10 =	vld [tilespmem:s0+$0x14400];
	v7 =	vmul.f32 $3.200000000e+01, v6;
	[tilespmem:s0+$0x8470] =	vst v12  }
0x229: {  	v13 =	vld [tilespmem:s0+$0x14410];
	v6 =	vmul.f32 $3.200000000e+01, v11  }
0x22a: {  	v11 =	vld [tilespmem:s0+$0x14420];
	v5 =	vmul.f32 $3.200000000e+01, v4  }
0x22b: {  	s7 =	sadd.s32 $0x400, s7;
	s8 =	sadd.s32 $0x80, s8;
	s20 =	sadd.s32 $0x10, s20;
	v12 =	vld [tilespmem:s0+$0x14430];
	v4 =	vmul.f32 $3.200000000e+01, v14  }
0x22c: {  	v14 =	vld [tilespmem:s0+$0x14440]  }
0x22d: {  	v3 =	vadd.f32 v10, v3;
	v10 =	vld [tilespmem:s0+$0x14450]  }
0x22e: {  	v9 =	vadd.f32 v13, v9;
	v13 =	vld [tilespmem:s0+$0x14460]  }
0x22f: {  	[tilespmem:s0+$0x8400] =	vst v3;
	v3 =	vadd.f32 v11, v7  }
0x230: {  	[tilespmem:s0+$0x8410] =	vst v9;
	v6 =	vadd.f32 v12, v6  }
0x231: {  	v7 =	vmul.f32 $3.200000000e+01, v8;
	[tilespmem:s0+$0x8420] =	vst v3;
	v3 =	vadd.f32 v14, v5  }
0x232: {  	[tilespmem:s0+$0x8430] =	vst v6;
	v4 =	vadd.f32 v10, v4  }
0x233: {  	s1 =	sadd.s32 s14, s30;
	[tilespmem:s0+$0x8440] =	vst v3;
	v3 =	vadd.f32 v13, v7  }
0x234: {  	s1 =	sshll.u32 s1, $0x7;
	[tilespmem:s0+$0x8450] =	vst v4  }
0x235: {  	s22 =	sadd.s32 s3, s1;
	[tilespmem:s0+$0x8460] =	vst v3  }
0x236: {  	[hbm4b:s22+s4] =	stream.linear.scatter [tilespmem:s6], [sflag:$0x7], $0x4000, $0x38;
	[tilespmem:$0x18400] =	vst v63  }
0x237: {  	_ =	swait.ge [sflag:s18], $0x4000  }
0x238: {  	[sflag:s18] =	ssyncset.done $0x0  }
0x239: {  	[sflag:s18] =	ssyncadd.s32 $0xFFFFC000  }
0x23a: {  	_ =	swait.ge [sflag:s19], $0x4000  }
0x23b: {  	[sflag:s19] =	ssyncset.done $0x0  }
0x23c: {  	[sflag:s19] =	ssyncadd.s32 $0xFFFFC000  }
0x23d: {  	v3 =	vld @!p0 [tilespmem:s26+$0x120];
	_ =	sdelay $0x4  }
0x23e: {  	v4 =	vshll.u32 @!p0 v3, $0x3  }
0x23f: {  	v5 =	vlaneseq.u32 @!p0;
	v3 =	vand.u32 @!p0 $0x7, v3;
	v4 =	vand.u32 @!p0 $0xFFFFFFC0, v4  }
0x240: {  	v6 =	vshrl.u32 @!p0 v5, $0x3;
	v3 =	vor.u32 @!p0 v3, v4;
	v4 =	vand.u32 @!p0 $0x7, v5  }
0x241: {  	v6 =	vmul.u32 @!p0 $0x8, v6;
	v4 =	vperm.xlane @!p0 v3, v4;
	_ =	sdelay $0x1  }
0x242: {  	v4 =	vadd.s32 @!p0 v6, v4;
	_ =	sdelay $0x3  }
0x243: {  	s1 =	simm.s32 @!p0 $0x4400;
	s0 =	simm.s32 @!p0 $0x0  }
0x244: {  	v5 =	vor.u32 @!p0 $0x8, v5;
	[tilespmem:s1], [sflag:$0x2] =	stream.indirect_vreg.gather @!p0 [hbm4b:s2+s0], $0x80, v4, vm1, $0xb8;
	[tilespmem:$0x18400] =	vst v63  }
0x245: {  	v3 =	vperm.xlane @!p0 v3, v5;
	s1 =	simm.s32 @!p0 $0x4C00  }
0x246: {  	[tilespmem:s1], [sflag:$0x2] =	stream.indirect_vreg.gather @!p0 [hbm4b:s10+s0], $0x80, v4, vm1, $0xb8;
	[tilespmem:$0x18400] =	vst v63  }
0x247: {  	v3 =	vadd.s32 @!p0 v6, v3;
	s1 =	simm.s32 @!p0 $0x5400  }
0x248: {  	[tilespmem:s1], [sflag:$0x2] =	stream.indirect_vreg.gather @!p0 [hbm4b:s11+s0], $0x80, v4, vm1, $0xb8;
	[tilespmem:$0x18400] =	vst v63  }
0x249: {  	s1 =	simm.s32 @!p0 $0x5C00  }
0x24a: {  	[tilespmem:s1], [sflag:$0x2] =	stream.indirect_vreg.gather @!p0 [hbm4b:s12+s0], $0x80, v4, vm1, $0xb8;
	[tilespmem:$0x18400] =	vst v63  }
0x24b: {  	s1 =	simm.s32 @!p0 $0x6400  }
0x24c: {  	[tilespmem:s1], [sflag:$0x2] =	stream.indirect_vreg.gather @!p0 [hbm4b:s2+s0], $0x80, v3, vm1, $0xb8;
	[tilespmem:$0x18400] =	vst v63  }
0x24d: {  	s1 =	simm.s32 @!p0 $0x6C00  }
0x24e: {  	[tilespmem:s1], [sflag:$0x2] =	stream.indirect_vreg.gather @!p0 [hbm4b:s10+s0], $0x80, v3, vm1, $0xb8;
	[tilespmem:$0x18400] =	vst v63  }
0x24f: {  	s26 =	simm.s32 $0x0;
	s1 =	simm.s32 @!p0 $0x7400  }
0x250: {  	[tilespmem:s1], [sflag:$0x2] =	stream.indirect_vreg.gather @!p0 [hbm4b:s11+s0], $0x80, v3, vm1, $0xb8;
	[tilespmem:$0x18400] =	vst v63  }
0x251: {  	s31 =	sand.u32 $0x2000, s26;
	s7 =	sand.u32 $0x1C00, s26;
	s1 =	simm.s32 @!p0 $0x7C00  }
0x252: {  	[tilespmem:s1], [sflag:$0x2] =	stream.indirect_vreg.gather @!p0 [hbm4b:s12+s0], $0x80, v3, vm1, $0xb8;
	[tilespmem:$0x18400] =	vst v63  }
0x253: {  	s1 =	sor.u32 s7, s31;
	s0 =	sand.u32 $0x380, s26  }
0x254: {  	s0 =	sor.u32 s0, s1  }
0x255: {  	v3 =	vld [tilespmem:s0+$0xC470]  }
0x256: {  	v4 =	vld [tilespmem:s0+$0xC400]  }
0x257: {  	v5 =	vld [tilespmem:s0+$0x14470]  }
0x258: {  	v6 =	vld [tilespmem:s0+$0xC410]  }
0x259: {  	v7 =	vld [tilespmem:s0+$0xC420]  }
0x25a: {  	v11 =	vld [tilespmem:s0+$0xC430]  }
0x25b: {  	v12 =	vld [tilespmem:s0+$0xC440]  }
0x25c: {  	v14 =	vld [tilespmem:s0+$0xC450]  }
0x25d: {  	v8 =	vld [tilespmem:s0+$0xC460];
	v9 =	vmul.f32 $3.200000000e+01, v3  }
0x25e: {  	v10 =	vld [tilespmem:s0+$0x14400]  }
0x25f: {  	v13 =	vld [tilespmem:s0+$0x14410];
	v3 =	vmul.f32 $3.200000000e+01, v4;
	v7 =	vmul.f32 $3.200000000e+01, v7;
	v4 =	vadd.f32 v5, v9  }
0x260: {  	s20 =	simm.s32 $0x10;
	v9 =	vmul.f32 $3.200000000e+01, v6;
	v6 =	vmul.f32 $3.200000000e+01, v11;
	v11 =	vld [tilespmem:s0+$0x14420]  }
0x261: {  	s8 =	simm.s32 $0x80;
	s7 =	simm.s32 $0x400;
	s1 =	simm.s32 $0x0;
	v5 =	vmul.f32 $3.200000000e+01, v12;
	v12 =	vld [tilespmem:s0+$0x14430];
	[tilespmem:s0+$0xC470] =	vst v4;
	v4 =	vmul.f32 $3.200000000e+01, v14  }
.LBB2_17:
0x262: {  	s21 =	sand.u32 $0x2000, s8;
	s22 =	sand.u32 $0x1C00, s7;
	s1 =	sadd.s32 $0x8, s1;
	v14 =	vld [tilespmem:s0+$0x14440];
	v8 =	vmul.f32 $3.200000000e+01, v8  }
0x263: {  	s21 =	sor.u32 s22, s21;
	s22 =	sand.u32 $0x380, s20;
	p0 =	slt.u32 s1, $0x3F8;
	v3 =	vadd.f32 v10, v3;
	v10 =	vld [tilespmem:s0+$0x14450]  }
0x264: {  	s21 =	sor.u32 s22, s21;
	v9 =	vadd.f32 v13, v9;
	v13 =	vld [tilespmem:s0+$0x14460]  }
0x265: {  	v15 =	vld [tilespmem:s21+$0xC470];
	[tilespmem:s0+$0xC400] =	vst v3;
	v3 =	vadd.f32 v11, v7  }
0x266: {  	v7 =	vld [tilespmem:s21+$0xC400];
	[tilespmem:s0+$0xC410] =	vst v9;
	v6 =	vadd.f32 v12, v6  }
0x267: {  	v9 =	vld [tilespmem:s21+$0x14470];
	[tilespmem:s0+$0xC420] =	vst v3;
	v3 =	vadd.f32 v14, v5  }
0x268: {  	v5 =	vld [tilespmem:s21+$0xC410];
	[tilespmem:s0+$0xC430] =	vst v6;
	v4 =	vadd.f32 v10, v4  }
0x269: {  	v6 =	vld [tilespmem:s21+$0xC420];
	[tilespmem:s0+$0xC440] =	vst v3;
	v8 =	vadd.f32 v13, v8  }
0x26a: {  	v11 =	vld [tilespmem:s21+$0xC430];
	v10 =	vmul.f32 $3.200000000e+01, v15;
	[tilespmem:s0+$0xC450] =	vst v4  }
0x26b: {  	v3 =	vmul.f32 $3.200000000e+01, v7;
	v4 =	vld [tilespmem:s21+$0xC440];
	[tilespmem:s0+$0xC460] =	vst v8;
	s0 =	smov.u32 s21  }
0x26c: {  	v14 =	vld [tilespmem:s0+$0xC450];
	v12 =	vadd.f32 v9, v10  }
.Ltmp7:
0x26d: {  	v9 =	vmul.f32 $3.200000000e+01, v5;
	v8 =	vld [tilespmem:s0+$0xC460];
	(pc) =	sbr.rel @p0 .LBB2_17-.Ltmp7, $4  }
0x26e: {  	v10 =	vld [tilespmem:s0+$0x14400];
	v7 =	vmul.f32 $3.200000000e+01, v6;
	[tilespmem:s0+$0xC470] =	vst v12  }
0x26f: {  	v13 =	vld [tilespmem:s0+$0x14410];
	v6 =	vmul.f32 $3.200000000e+01, v11  }
0x270: {  	v11 =	vld [tilespmem:s0+$0x14420];
	v5 =	vmul.f32 $3.200000000e+01, v4  }
0x271: {  	s7 =	sadd.s32 $0x400, s7;
	s8 =	sadd.s32 $0x80, s8;
	s20 =	sadd.s32 $0x10, s20;
	v12 =	vld [tilespmem:s0+$0x14430];
	v4 =	vmul.f32 $3.200000000e+01, v14  }
0x272: {  	v14 =	vld [tilespmem:s0+$0x14440]  }
0x273: {  	v61 =	vld [tilespmem:s0+$0x14450];
	v3 =	vadd.f32 v10, v3  }
0x274: {  	v62 =	vld [tilespmem:s0+$0x14460];
	v9 =	vadd.f32 v13, v9  }
0x275: {  	[tilespmem:s0+$0xC400] =	vst v3;
	v3 =	vadd.f32 v11, v7  }
0x276: {  	s25 =	sadd.s32 $0x1, s25;
	[tilespmem:s0+$0xC410] =	vst v9;
	v6 =	vadd.f32 v12, v6  }
0x277: {  	v63 =	vmul.f32 $3.200000000e+01, v8;
	p0 =	sne.s32 s25, $0x8;
	[tilespmem:s0+$0xC420] =	vst v3;
	v3 =	vadd.f32 v14, v5  }
.Ltmp8:
0x278: {  	v4 =	vadd.f32 v61, v4;
	[tilespmem:s0+$0xC430] =	vst v6;
	(pc) =	sbr.rel @p0 .LBB2_2-.Ltmp8, $4  }
0x279: {  	s1 =	sadd.s32 s15, s30;
	[tilespmem:s0+$0xC440] =	vst v3;
	v3 =	vadd.f32 v62, v63  }
0x27a: {  	s1 =	sshll.u32 s1, $0x7;
	[tilespmem:s0+$0xC450] =	vst v4  }
0x27b: {  	s31 =	sadd.s32 s3, s1;
	[tilespmem:s0+$0xC460] =	vst v3  }
0x27c: {  	[hbm4b:s31+s4] =	stream.linear.scatter [tilespmem:s29], [sflag:$0x8], $0x4000, $0x38;
	[tilespmem:$0x18400] =	vst v63  }
0x27d: {  	_ =	swait.ge [sflag:s23], $0x4000  }
0x27e: {  	[sflag:s23] =	ssyncset.done $0x0  }
0x27f: {  	[sflag:s23] =	ssyncadd.s32 $0xFFFFC000  }
0x280: {  	_ =	swait.ge [sflag:s24], $0x4000  }
0x281: {  	s1 =	rddreg [dreg:$0x9]  }
0x282: {  	s0 =	rddreg [dreg:$0x8];
	s1 =	sadd.s32 $0x1, s1  }
0x283: {  	p0 =	sne.s32 s1, s0  }
.Ltmp9:
0x284: {  	_ = 	snop;
	(pc) =	sbr.rel @p0 .LBB2_1-.Ltmp9, $3  }
0x285: {  	_ =	sdelay $0x1  }
0x286: {  	[sflag:s24] =	ssyncset.done $0x0  }
0x287: {  	[sflag:s24] =	ssyncadd.s32 $0xFFFFC000  }
0x288: {  	_ =	sfence.sel $0x180000  }
0x289: {  	[bflag:$0x0] =	sbarrier.arrive $0xFFFF  }
0x28a: {  	_ =	strace $0x90000047  }
0x28b: {  	s0 =	stileid.u32;
	[bflag:$0x2] =	sbarrier.arrive $0xFFFF  }
0x28c: {  	p0 =	sne.s32 s0, $0x0;
	s0 =	rddreg [dreg:$0x3]  }
0x28d: {  	s0 =	sadd.s32 @!p0 $0x100000, s0  }
0x28e: {  	[sflag:s0] =	ssyncadd.tile.s32 @!p0 $0x1;
	_ =	shalt  }
.Lfunc_end2:
_tile_overlayer_lowered:
.L_overlay_start_2:
0x28f: {  	(tag) =	ssettag $0x2  }
0x290: {  	s0 =	rddreg [dreg:$0x0];
	s2 =	stileid.u32  }
0x291: {  	s1 =	rddreg [dreg:$0x1];
	p0 =	sne.s32 s2, $0x0  }
0x292: {  	s3 =	rddreg [dreg:$0x2];
	[bflag:$0x3] =	sbarrier.arrive $0xFFFF;
	s2 =	simm.s32 @!p0 $0x1C09  }
0x293: {  	[timem:s3], [sflag:s2] =	dma.local @!p0 [hbm:s0], s1  }
0x294: {  	s0 =	simm.s32 @!p0 $0x9  }
0x295: {  	_ =	swait.ge @!p0 [sflag:s0], s1  }
0x296: {  	s1 =	ssub.s32 @!p0 $0x0, s1;
	[sflag:s0] =	ssyncset.done @!p0 $0x0  }
0x297: {  	[sflag:s0] =	ssyncadd.s32 @!p0 s1  }
0x298: {  	[bflag:$0x3] =	sbarrier.arrive $0xFFFF  }
0x299: {  	_ =	shalt  }

</sc_bundles>
